<compile_context>
chip_gen: v7x
topology: tpu7x:2x2x1
jax: 0.10.2.dev20260603
libtpu: 0.0.44.dev20260713+nightly
codegen_flags: <defaults>
</compile_context>

<pallas_src>
import jax
import jax.numpy as jnp
from jax import lax
from jax.experimental import pallas as pl
from jax.experimental.pallas import tpu as pltpu
from jax.experimental.pallas import tpu_sc as plsc

H, W = 180, 320
K = 32
C = 256
THRESH = 0.1
ROWS_PER_IMG = (H * W) // 128


def _nms_topk_body(h_ref, scores_ref, inds_ref, bboxt_ref, kpst_ref):
    h = h_ref[0, 0]
    pad_r = jnp.full((4, W), -jnp.inf, jnp.float32)
    hv = jnp.concatenate([pad_r, h, pad_r], axis=0)
    rm = hv[0:H]
    for d in range(1, 9):
        rm = jnp.maximum(rm, hv[d:d + H])
    pad_c = jnp.full((H, 4), -jnp.inf, jnp.float32)
    hc = jnp.concatenate([pad_c, rm, pad_c], axis=1)
    hm = hc[:, 0:W]
    for d in range(1, 9):
        hm = jnp.maximum(hm, hc[:, d:d + W])
    keep = (hm == h) & (h > THRESH)
    s = jnp.where(keep, h, 0.0)

    flat = (lax.broadcasted_iota(jnp.int32, (H, W), 0) * W
            + lax.broadcasted_iota(jnp.int32, (H, W), 1))
    colk = lax.broadcasted_iota(jnp.int32, (1, K), 1)

    def step(k, carry):
        s, vals, inds = carry
        m = jnp.max(s)
        cand = jnp.where(s == m, flat, jnp.int32(2 ** 30))
        idx = jnp.min(cand)
        s = jnp.where(flat == idx, -1.0, s)
        vals = jnp.where(colk == k, m, vals)
        inds = jnp.where(colk == k, idx, inds)
        return s, vals, inds

    _, vals, inds = lax.fori_loop(
        0, K, step,
        (s, jnp.zeros((1, K), jnp.float32), jnp.zeros((1, K), jnp.int32)))

    xs = inds % W
    ys = inds // W
    scores_ref[0] = vals
    inds_ref[0] = inds
    kpst_ref[0] = jnp.concatenate([xs * 4, ys * 4], axis=0)
    bboxt_ref[0] = jnp.concatenate(
        [xs - 16, ys - 16, xs + 16, ys + 16], axis=0).astype(jnp.float32) * 4.0


def _nms_topk(heatmap):
    return pl.pallas_call(
        _nms_topk_body,
        grid=(4,),
        in_specs=[pl.BlockSpec((1, 1, H, W), lambda b: (b, 0, 0, 0))],
        out_specs=[
            pl.BlockSpec((1, 1, K), lambda b: (b, 0, 0)),
            pl.BlockSpec((1, 1, K), lambda b: (b, 0, 0)),
            pl.BlockSpec((1, 4, K), lambda b: (b, 0, 0)),
            pl.BlockSpec((1, 2, K), lambda b: (b, 0, 0)),
        ],
        out_shape=[
            jax.ShapeDtypeStruct((4, 1, K), jnp.float32),
            jax.ShapeDtypeStruct((4, 1, K), jnp.int32),
            jax.ShapeDtypeStruct((4, 4, K), jnp.float32),
            jax.ShapeDtypeStruct((4, 2, K), jnp.int32),
        ],
    )(heatmap)


def _gather_body(fm_hbm, idx_hbm, sc_hbm, out_hbm,
                 idx_all, sc_all, idx2d, rows, out_all, sem):
    wid = lax.axis_index("s") * 2 + lax.axis_index("c")
    pltpu.sync_copy(idx_hbm, idx_all)
    pltpu.sync_copy(sc_hbm, sc_all)
    iota = lax.iota(jnp.int32, 16)
    for j in range(4):
        kp = wid * 4 + j
        kp_vec = jnp.full((16,), kp, jnp.int32)
        p_vec = plsc.load_gather(idx_all, [kp_vec])
        s_vec = plsc.load_gather(sc_all, [kp_vec])
        b = kp // K
        base = b * (C * ROWS_PER_IMG) + (p_vec >> 7)
        lane = p_vec & 127
        for r2 in range(16):
            c = r2 * 16 + iota
            idx2d[2 * j + (r2 // 8), pl.ds((r2 % 8) * 16, 16)] = base + c * ROWS_PER_IMG
        cp0 = pltpu.async_copy(fm_hbm.at[idx2d.at[2 * j]], rows.at[pl.ds(0, 128)], sem)
        cp1 = pltpu.async_copy(fm_hbm.at[idx2d.at[2 * j + 1]], rows.at[pl.ds(128, 128)], sem)
        cp0.wait()
        cp1.wait()
        for cc in range(16):
            rvals = plsc.load_gather(rows, [cc * 16 + iota, lane])
            out_all[pl.ds(j * C + cc * 16, 16)] = rvals * s_vec
    pltpu.sync_copy(out_all, out_hbm.at[pl.ds(wid * (4 * C), 4 * C)])


def _gather(fm2, inds_flat, scores_flat):
    mesh = plsc.VectorSubcoreMesh(core_axis_name="c", subcore_axis_name="s")
    return pl.kernel(
        _gather_body,
        out_type=jax.ShapeDtypeStruct((4 * K * C,), jnp.float32),
        mesh=mesh,
        compiler_params=pltpu.CompilerParams(needs_layout_passes=False),
        scratch_types=[
            pltpu.VMEM((4 * K,), jnp.int32),
            pltpu.VMEM((4 * K,), jnp.float32),
            pltpu.VMEM((8, 128), jnp.int32),
            pltpu.VMEM((C, 128), jnp.float32),
            pltpu.VMEM((4 * C,), jnp.float32),
            pltpu.SemaphoreType.DMA,
        ],
    )(fm2, inds_flat, scores_flat)


def kernel(heatmap, feature_map):
    scores3, inds3, bboxt, kpst = _nms_topk(heatmap)
    topk_scores = scores3.reshape(4, K)
    fm2 = feature_map.reshape(4 * C * ROWS_PER_IMG, 128)
    outv = _gather(fm2, inds3.reshape(4 * K), scores3.reshape(4 * K))
    out = outv.reshape(4, K, C)
    bbox = jnp.transpose(bboxt, (0, 2, 1))
    kps = jnp.transpose(kpst, (0, 2, 1))
    return out, bbox, kps, topk_scores

# --- scband reference (transcript-rebuilt; emitter-appended) ---
"""Pipeline reference for scband-gregrasp-net-27702539059801 (READ-ONLY COPY).

The authoritative reference and input builder live on the scoring server;
editing this copy changes nothing except your own understanding.
"""

import jax, jax.numpy as jnp
import numpy as np

TOPK = 32
THRESH = 0.1
NMS_SIZE = 9
STRIDE = 4
BOX_R = 16


def setup_inputs(seed: int = 0) -> dict:
    key = jax.random.key(seed)
    k1, k2 = jax.random.split(key)
    heatmap = jax.random.uniform(k1, (4, 1, 180, 320), dtype=jnp.float32)
    feature_map = jax.random.normal(k2, (4, 256, 180, 320), dtype=jnp.float32)
    return {"heatmap": heatmap, "feature_map": feature_map}


def reference(heatmap, feature_map):
    bs, _, H, W = heatmap.shape
    C = feature_map.shape[1]
    # maxpool-based NMS on the heatmap (post_process_heatmap core)
    hmax = jax.lax.reduce_window(
        heatmap, -jnp.inf, jax.lax.max,
        window_dimensions=(1, 1, NMS_SIZE, NMS_SIZE),
        window_strides=(1, 1, 1, 1),
        padding='SAME')
    keep = (hmax == heatmap) & (heatmap > THRESH)
    scores = jnp.where(keep, heatmap, 0.0).reshape(bs, -1)
    # top-K surviving peaks
    topk_scores, topk_inds = jax.lax.top_k(scores, TOPK)
    ys = topk_inds // W
    xs = topk_inds % W
    topk_kps = jnp.stack([xs * STRIDE, ys * STRIDE], axis=-1)  # [bs, K, 2] in orig coords
    bbox = jnp.stack([xs - BOX_R, ys - BOX_R, xs + BOX_R, ys + BOX_R], axis=-1).astype(jnp.float32) * STRIDE  # [bs, K, 4]
    # gather per-keypoint features from the decoder feature map
    flat = feature_map.reshape(bs, C, H * W)
    idx = jnp.broadcast_to(topk_inds[:, None, :], (bs, C, TOPK))
    kp_feats = jnp.take_along_axis(flat, idx, axis=2)  # [bs, C, K]
    kp_feats = jnp.transpose(kp_feats, (0, 2, 1))  # [bs, K, C]
    out = kp_feats * topk_scores[..., None]
    return out, bbox, topk_kps, topk_scores

if __name__ == "__main__":
    import jax
    _d = setup_inputs()
    print(jax.jit(kernel)(*tuple(_d.values())))

</pallas_src>

<mosaic_0001>
#map = affine_map<(d0, d1) -> (0, 0)>
#map1 = affine_map<(d0, d1) -> (0)>
module attributes {stable_mosaic.version = 14 : i64} {
  func.func @_gather_body(%arg0: i32, %arg1: i32, %arg2: memref<460800x128xf32, #tpu.memory_space<hbm>>, %arg3: memref<128xi32, #tpu.memory_space<hbm>>, %arg4: memref<128xf32, #tpu.memory_space<hbm>>, %arg5: memref<32768xf32, #tpu.memory_space<hbm>>, %arg6: memref<128xi32, #tpu.memory_space<vmem>>, %arg7: memref<128xf32, #tpu.memory_space<vmem>>, %arg8: memref<8x128xi32, #tpu.memory_space<vmem>>, %arg9: memref<256x128xf32, #tpu.memory_space<vmem>>, %arg10: memref<1024xf32, #tpu.memory_space<vmem>>, %arg11: memref<!tpu.dma_semaphore, #tpu.memory_space<semaphore_mem>>) attributes {dimension_semantics = [#tpu.dimension_semantics<core_parallel>, #tpu.dimension_semantics<subcore_parallel>], iteration_bounds = array<i64: 2, 16>, scalar_prefetch = 0 : i64, scratch_operands = 6 : i64, tpu.core_type = #tpu.core_type<sc_vector_subcore>, window_params = [{transform_indices = #map}, {transform_indices = #map1}, {transform_indices = #map1}, {transform_indices = #map1}]} {
    %mul3A = arith.constant 2 : i32
    %mul3A_0 = arith.muli %arg1, %mul3A : i32
    %add3A = arith.addi %mul3A_0, %arg0 : i32
    "tpu.region"() ({
      %run_scoped3A = tpu.sem_alloc : memref<!tpu.dma_semaphore, #tpu.memory_space<semaphore_mem>>
      tpu.enqueue_dma source(%arg3 : memref<128xi32, #tpu.memory_space<hbm>>) target(%arg6 : memref<128xi32, #tpu.memory_space<vmem>>) target_semaphore(%run_scoped3A : memref<!tpu.dma_semaphore, #tpu.memory_space<semaphore_mem>>)
      tpu.wait_dma2 semaphore(%run_scoped3A : memref<!tpu.dma_semaphore, #tpu.memory_space<semaphore_mem>>) src(%arg3 : memref<128xi32, #tpu.memory_space<hbm>>) dst(%arg6 : memref<128xi32, #tpu.memory_space<vmem>>)
      tpu.yield
    }) : () -> ()
    "tpu.region"() ({
      %run_scoped3A = tpu.sem_alloc : memref<!tpu.dma_semaphore, #tpu.memory_space<semaphore_mem>>
      tpu.enqueue_dma source(%arg4 : memref<128xf32, #tpu.memory_space<hbm>>) target(%arg7 : memref<128xf32, #tpu.memory_space<vmem>>) target_semaphore(%run_scoped3A : memref<!tpu.dma_semaphore, #tpu.memory_space<semaphore_mem>>)
      tpu.wait_dma2 semaphore(%run_scoped3A : memref<!tpu.dma_semaphore, #tpu.memory_space<semaphore_mem>>) src(%arg4 : memref<128xf32, #tpu.memory_space<hbm>>) dst(%arg7 : memref<128xf32, #tpu.memory_space<vmem>>)
      tpu.yield
    }) : () -> ()
    %iota3A = tpu.iota {dimensions = array<i32: 0>} : vector<16xi32>
    %mul3A_1 = arith.constant 4 : i32
    %mul3A_2 = arith.muli %add3A, %mul3A_1 : i32
    %add3A_3 = arith.constant 0 : i32
    %add3A_4 = arith.addi %mul3A_2, %add3A_3 : i32
    %broadcast_in_dim3A = vector.broadcast %add3A_4 : i32 to vector<16xi32>
    %gather3A = tpu.vector_load_idx %arg6[%broadcast_in_dim3A] : memref<128xi32, #tpu.memory_space<vmem>>[vector<16xi32>], vector<16xi32>,
    %gather3A_5 = tpu.vector_load_idx %arg7[%broadcast_in_dim3A] : memref<128xf32, #tpu.memory_space<vmem>>[vector<16xi32>], vector<16xf32>,
    %jit3A = arith.constant 32 : i32
    %div3A = arith.divsi %add3A_4, %jit3A : i32
    %sign3A = arith.constant 0 : i32
    %sign3A_6 = arith.cmpi sgt, %add3A_4, %sign3A : i32
    %sign3A_7 = arith.extui %sign3A_6 : i1 to i32
    %sign3A_8 = arith.constant 0 : i32
    %sign3A_9 = arith.cmpi slt, %add3A_4, %sign3A_8 : i32
    %sign3A_10 = arith.extui %sign3A_9 : i1 to i32
    %sign3A_11 = arith.subi %sign3A_7, %sign3A_10 : i32
    %sign3A_12 = arith.constant 0 : i32
    %sign3A_13 = arith.cmpi sgt, %jit3A, %sign3A_12 : i32
    %sign3A_14 = arith.extui %sign3A_13 : i1 to i32
    %sign3A_15 = arith.constant 0 : i32
    %sign3A_16 = arith.cmpi slt, %jit3A, %sign3A_15 : i32
    %sign3A_17 = arith.extui %sign3A_16 : i1 to i32
    %sign3A_18 = arith.subi %sign3A_14, %sign3A_17 : i32
    %ne3A = arith.cmpi ne, %sign3A_11, %sign3A_18 : i32
    %rem3A = arith.remsi %add3A_4, %jit3A : i32
    %ne3A_19 = arith.constant 0 : i32
    %ne3A_20 = arith.cmpi ne, %rem3A, %ne3A_19 : i32
    %and3A = arith.andi %ne3A, %ne3A_20 : i1
    %sub3A = arith.constant 1 : i32
    %sub3A_21 = arith.subi %div3A, %sub3A : i32
    %select_n3A = arith.select %and3A, %sub3A_21, %div3A : i32
    %mul3A_22 = arith.constant 115200 : i32
    %mul3A_23 = arith.muli %select_n3A, %mul3A_22 : i32
    %shift_right_arithmetic3A = arith.constant 7 : i32
    %shift_right_arithmetic3A_24 = vector.broadcast %shift_right_arithmetic3A : i32 to vector<16xi32>
    %shift_right_arithmetic3A_25 = arith.shrsi %gather3A, %shift_right_arithmetic3A_24 : vector<16xi32>
    %add3A_26 = vector.broadcast %mul3A_23 : i32 to vector<16xi32>
    %add3A_27 = arith.addi %add3A_26, %shift_right_arithmetic3A_25 : vector<16xi32>
    %and3A_28 = arith.constant 127 : i32
    %and3A_29 = vector.broadcast %and3A_28 : i32 to vector<16xi32>
    %and3A_30 = arith.andi %gather3A, %and3A_29 : vector<16xi32>
    %add3A_31 = arith.constant 0 : i32
    %add3A_32 = vector.broadcast %add3A_31 : i32 to vector<16xi32>
    %add3A_33 = arith.addi %add3A_32, %iota3A : vector<16xi32>
    %mul3A_34 = arith.constant 450 : i32
    %mul3A_35 = vector.broadcast %mul3A_34 : i32 to vector<16xi32>
    %mul3A_36 = arith.muli %add3A_33, %mul3A_35 : vector<16xi32>
    %add3A_37 = arith.addi %add3A_27, %mul3A_36 : vector<16xi32>
    %swap3A = arith.constant 0 : i32
    %swap3A_38 = arith.index_cast %swap3A : i32 to index
    %swap3A_39 = arith.constant 0 : index
    %swap3A_40 = tpu.vector_load %arg8[%swap3A_38, %swap3A_39] {strides = array<i32>} : memref<8x128xi32, #tpu.memory_space<vmem>>, vector<16xi32>,
    tpu.vector_store %arg8[%swap3A_38, %swap3A_39], %add3A_37 {strides = array<i32>} : memref<8x128xi32, #tpu.memory_space<vmem>>, vector<16xi32>,
    %add3A_41 = arith.constant 16 : i32
    %add3A_42 = vector.broadcast %add3A_41 : i32 to vector<16xi32>
    %add3A_43 = arith.addi %add3A_42, %iota3A : vector<16xi32>
    %mul3A_44 = arith.constant 450 : i32
    %mul3A_45 = vector.broadcast %mul3A_44 : i32 to vector<16xi32>
    %mul3A_46 = arith.muli %add3A_43, %mul3A_45 : vector<16xi32>
    %add3A_47 = arith.addi %add3A_27, %mul3A_46 : vector<16xi32>
    %swap3A_48 = arith.constant 0 : i32
    %swap3A_49 = arith.index_cast %swap3A_48 : i32 to index
    %swap3A_50 = arith.constant 16 : index
    %swap3A_51 = tpu.vector_load %arg8[%swap3A_49, %swap3A_50] {strides = array<i32>} : memref<8x128xi32, #tpu.memory_space<vmem>>, vector<16xi32>,
    tpu.vector_store %arg8[%swap3A_49, %swap3A_50], %add3A_47 {strides = array<i32>} : memref<8x128xi32, #tpu.memory_space<vmem>>, vector<16xi32>,
    %add3A_52 = arith.constant 32 : i32
    %add3A_53 = vector.broadcast %add3A_52 : i32 to vector<16xi32>
    %add3A_54 = arith.addi %add3A_53, %iota3A : vector<16xi32>
    %mul3A_55 = arith.constant 450 : i32
    %mul3A_56 = vector.broadcast %mul3A_55 : i32 to vector<16xi32>
    %mul3A_57 = arith.muli %add3A_54, %mul3A_56 : vector<16xi32>
    %add3A_58 = arith.addi %add3A_27, %mul3A_57 : vector<16xi32>
    %swap3A_59 = arith.constant 0 : i32
    %swap3A_60 = arith.index_cast %swap3A_59 : i32 to index
    %swap3A_61 = arith.constant 32 : index
    %swap3A_62 = tpu.vector_load %arg8[%swap3A_60, %swap3A_61] {strides = array<i32>} : memref<8x128xi32, #tpu.memory_space<vmem>>, vector<16xi32>,
    tpu.vector_store %arg8[%swap3A_60, %swap3A_61], %add3A_58 {strides = array<i32>} : memref<8x128xi32, #tpu.memory_space<vmem>>, vector<16xi32>,
    %add3A_63 = arith.constant 48 : i32
    %add3A_64 = vector.broadcast %add3A_63 : i32 to vector<16xi32>
    %add3A_65 = arith.addi %add3A_64, %iota3A : vector<16xi32>
    %mul3A_66 = arith.constant 450 : i32
    %mul3A_67 = vector.broadcast %mul3A_66 : i32 to vector<16xi32>
    %mul3A_68 = arith.muli %add3A_65, %mul3A_67 : vector<16xi32>
    %add3A_69 = arith.addi %add3A_27, %mul3A_68 : vector<16xi32>
    %swap3A_70 = arith.constant 0 : i32
    %swap3A_71 = arith.index_cast %swap3A_70 : i32 to index
    %swap3A_72 = arith.constant 48 : index
    %swap3A_73 = tpu.vector_load %arg8[%swap3A_71, %swap3A_72] {strides = array<i32>} : memref<8x128xi32, #tpu.memory_space<vmem>>, vector<16xi32>,
    tpu.vector_store %arg8[%swap3A_71, %swap3A_72], %add3A_69 {strides = array<i32>} : memref<8x128xi32, #tpu.memory_space<vmem>>, vector<16xi32>,
    %add3A_74 = arith.constant 64 : i32
    %add3A_75 = vector.broadcast %add3A_74 : i32 to vector<16xi32>
    %add3A_76 = arith.addi %add3A_75, %iota3A : vector<16xi32>
    %mul3A_77 = arith.constant 450 : i32
    %mul3A_78 = vector.broadcast %mul3A_77 : i32 to vector<16xi32>
    %mul3A_79 = arith.muli %add3A_76, %mul3A_78 : vector<16xi32>
    %add3A_80 = arith.addi %add3A_27, %mul3A_79 : vector<16xi32>
    %swap3A_81 = arith.constant 0 : i32
    %swap3A_82 = arith.index_cast %swap3A_81 : i32 to index
    %swap3A_83 = arith.constant 64 : index
    %swap3A_84 = tpu.vector_load %arg8[%swap3A_82, %swap3A_83] {strides = array<i32>} : memref<8x128xi32, #tpu.memory_space<vmem>>, vector<16xi32>,
    tpu.vector_store %arg8[%swap3A_82, %swap3A_83], %add3A_80 {strides = array<i32>} : memref<8x128xi32, #tpu.memory_space<vmem>>, vector<16xi32>,
    %add3A_85 = arith.constant 80 : i32
    %add3A_86 = vector.broadcast %add3A_85 : i32 to vector<16xi32>
    %add3A_87 = arith.addi %add3A_86, %iota3A : vector<16xi32>
    %mul3A_88 = arith.constant 450 : i32
    %mul3A_89 = vector.broadcast %mul3A_88 : i32 to vector<16xi32>
    %mul3A_90 = arith.muli %add3A_87, %mul3A_89 : vector<16xi32>
    %add3A_91 = arith.addi %add3A_27, %mul3A_90 : vector<16xi32>
    %swap3A_92 = arith.constant 0 : i32
    %swap3A_93 = arith.index_cast %swap3A_92 : i32 to index
    %swap3A_94 = arith.constant 80 : index
    %swap3A_95 = tpu.vector_load %arg8[%swap3A_93, %swap3A_94] {strides = array<i32>} : memref<8x128xi32, #tpu.memory_space<vmem>>, vector<16xi32>,
    tpu.vector_store %arg8[%swap3A_93, %swap3A_94], %add3A_91 {strides = array<i32>} : memref<8x128xi32, #tpu.memory_space<vmem>>, vector<16xi32>,
    %add3A_96 = arith.constant 96 : i32
    %add3A_97 = vector.broadcast %add3A_96 : i32 to vector<16xi32>
    %add3A_98 = arith.addi %add3A_97, %iota3A : vector<16xi32>
    %mul3A_99 = arith.constant 450 : i32
    %mul3A_100 = vector.broadcast %mul3A_99 : i32 to vector<16xi32>
    %mul3A_101 = arith.muli %add3A_98, %mul3A_100 : vector<16xi32>
    %add3A_102 = arith.addi %add3A_27, %mul3A_101 : vector<16xi32>
    %swap3A_103 = arith.constant 0 : i32
    %swap3A_104 = arith.index_cast %swap3A_103 : i32 to index
    %swap3A_105 = arith.constant 96 : index
    %swap3A_106 = tpu.vector_load %arg8[%swap3A_104, %swap3A_105] {strides = array<i32>} : memref<8x128xi32, #tpu.memory_space<vmem>>, vector<16xi32>,
    tpu.vector_store %arg8[%swap3A_104, %swap3A_105], %add3A_102 {strides = array<i32>} : memref<8x128xi32, #tpu.memory_space<vmem>>, vector<16xi32>,
    %add3A_107 = arith.constant 112 : i32
    %add3A_108 = vector.broadcast %add3A_107 : i32 to vector<16xi32>
    %add3A_109 = arith.addi %add3A_108, %iota3A : vector<16xi32>
    %mul3A_110 = arith.constant 450 : i32
    %mul3A_111 = vector.broadcast %mul3A_110 : i32 to vector<16xi32>
    %mul3A_112 = arith.muli %add3A_109, %mul3A_111 : vector<16xi32>
    %add3A_113 = arith.addi %add3A_27, %mul3A_112 : vector<16xi32>
    %swap3A_114 = arith.constant 0 : i32
    %swap3A_115 = arith.index_cast %swap3A_114 : i32 to index
    %swap3A_116 = arith.constant 112 : index
    %swap3A_117 = tpu.vector_load %arg8[%swap3A_115, %swap3A_116] {strides = array<i32>} : memref<8x128xi32, #tpu.memory_space<vmem>>, vector<16xi32>,
    tpu.vector_store %arg8[%swap3A_115, %swap3A_116], %add3A_113 {strides = array<i32>} : memref<8x128xi32, #tpu.memory_space<vmem>>, vector<16xi32>,
    %add3A_118 = arith.constant 128 : i32
    %add3A_119 = vector.broadcast %add3A_118 : i32 to vector<16xi32>
    %add3A_120 = arith.addi %add3A_119, %iota3A : vector<16xi32>
    %mul3A_121 = arith.constant 450 : i32
    %mul3A_122 = vector.broadcast %mul3A_121 : i32 to vector<16xi32>
    %mul3A_123 = arith.muli %add3A_120, %mul3A_122 : vector<16xi32>
    %add3A_124 = arith.addi %add3A_27, %mul3A_123 : vector<16xi32>
    %swap3A_125 = arith.constant 1 : i32
    %swap3A_126 = arith.index_cast %swap3A_125 : i32 to index
    %swap3A_127 = arith.constant 0 : index
    %swap3A_128 = tpu.vector_load %arg8[%swap3A_126, %swap3A_127] {strides = array<i32>} : memref<8x128xi32, #tpu.memory_space<vmem>>, vector<16xi32>,
    tpu.vector_store %arg8[%swap3A_126, %swap3A_127], %add3A_124 {strides = array<i32>} : memref<8x128xi32, #tpu.memory_space<vmem>>, vector<16xi32>,
    %add3A_129 = arith.constant 144 : i32
    %add3A_130 = vector.broadcast %add3A_129 : i32 to vector<16xi32>
    %add3A_131 = arith.addi %add3A_130, %iota3A : vector<16xi32>
    %mul3A_132 = arith.constant 450 : i32
    %mul3A_133 = vector.broadcast %mul3A_132 : i32 to vector<16xi32>
    %mul3A_134 = arith.muli %add3A_131, %mul3A_133 : vector<16xi32>
    %add3A_135 = arith.addi %add3A_27, %mul3A_134 : vector<16xi32>
    %swap3A_136 = arith.constant 1 : i32
    %swap3A_137 = arith.index_cast %swap3A_136 : i32 to index
    %swap3A_138 = arith.constant 16 : index
    %swap3A_139 = tpu.vector_load %arg8[%swap3A_137, %swap3A_138] {strides = array<i32>} : memref<8x128xi32, #tpu.memory_space<vmem>>, vector<16xi32>,
    tpu.vector_store %arg8[%swap3A_137, %swap3A_138], %add3A_135 {strides = array<i32>} : memref<8x128xi32, #tpu.memory_space<vmem>>, vector<16xi32>,
    %add3A_140 = arith.constant 160 : i32
    %add3A_141 = vector.broadcast %add3A_140 : i32 to vector<16xi32>
    %add3A_142 = arith.addi %add3A_141, %iota3A : vector<16xi32>
    %mul3A_143 = arith.constant 450 : i32
    %mul3A_144 = vector.broadcast %mul3A_143 : i32 to vector<16xi32>
    %mul3A_145 = arith.muli %add3A_142, %mul3A_144 : vector<16xi32>
    %add3A_146 = arith.addi %add3A_27, %mul3A_145 : vector<16xi32>
    %swap3A_147 = arith.constant 1 : i32
    %swap3A_148 = arith.index_cast %swap3A_147 : i32 to index
    %swap3A_149 = arith.constant 32 : index
    %swap3A_150 = tpu.vector_load %arg8[%swap3A_148, %swap3A_149] {strides = array<i32>} : memref<8x128xi32, #tpu.memory_space<vmem>>, vector<16xi32>,
    tpu.vector_store %arg8[%swap3A_148, %swap3A_149], %add3A_146 {strides = array<i32>} : memref<8x128xi32, #tpu.memory_space<vmem>>, vector<16xi32>,
    %add3A_151 = arith.constant 176 : i32
    %add3A_152 = vector.broadcast %add3A_151 : i32 to vector<16xi32>
    %add3A_153 = arith.addi %add3A_152, %iota3A : vector<16xi32>
    %mul3A_154 = arith.constant 450 : i32
    %mul3A_155 = vector.broadcast %mul3A_154 : i32 to vector<16xi32>
    %mul3A_156 = arith.muli %add3A_153, %mul3A_155 : vector<16xi32>
    %add3A_157 = arith.addi %add3A_27, %mul3A_156 : vector<16xi32>
    %swap3A_158 = arith.constant 1 : i32
    %swap3A_159 = arith.index_cast %swap3A_158 : i32 to index
    %swap3A_160 = arith.constant 48 : index
    %swap3A_161 = tpu.vector_load %arg8[%swap3A_159, %swap3A_160] {strides = array<i32>} : memref<8x128xi32, #tpu.memory_space<vmem>>, vector<16xi32>,
    tpu.vector_store %arg8[%swap3A_159, %swap3A_160], %add3A_157 {strides = array<i32>} : memref<8x128xi32, #tpu.memory_space<vmem>>, vector<16xi32>,
    %add3A_162 = arith.constant 192 : i32
    %add3A_163 = vector.broadcast %add3A_162 : i32 to vector<16xi32>
    %add3A_164 = arith.addi %add3A_163, %iota3A : vector<16xi32>
    %mul3A_165 = arith.constant 450 : i32
    %mul3A_166 = vector.broadcast %mul3A_165 : i32 to vector<16xi32>
    %mul3A_167 = arith.muli %add3A_164, %mul3A_166 : vector<16xi32>
    %add3A_168 = arith.addi %add3A_27, %mul3A_167 : vector<16xi32>
    %swap3A_169 = arith.constant 1 : i32
    %swap3A_170 = arith.index_cast %swap3A_169 : i32 to index
    %swap3A_171 = arith.constant 64 : index
    %swap3A_172 = tpu.vector_load %arg8[%swap3A_170, %swap3A_171] {strides = array<i32>} : memref<8x128xi32, #tpu.memory_space<vmem>>, vector<16xi32>,
    tpu.vector_store %arg8[%swap3A_170, %swap3A_171], %add3A_168 {strides = array<i32>} : memref<8x128xi32, #tpu.memory_space<vmem>>, vector<16xi32>,
    %add3A_173 = arith.constant 208 : i32
    %add3A_174 = vector.broadcast %add3A_173 : i32 to vector<16xi32>
    %add3A_175 = arith.addi %add3A_174, %iota3A : vector<16xi32>
    %mul3A_176 = arith.constant 450 : i32
    %mul3A_177 = vector.broadcast %mul3A_176 : i32 to vector<16xi32>
    %mul3A_178 = arith.muli %add3A_175, %mul3A_177 : vector<16xi32>
    %add3A_179 = arith.addi %add3A_27, %mul3A_178 : vector<16xi32>
    %swap3A_180 = arith.constant 1 : i32
    %swap3A_181 = arith.index_cast %swap3A_180 : i32 to index
    %swap3A_182 = arith.constant 80 : index
    %swap3A_183 = tpu.vector_load %arg8[%swap3A_181, %swap3A_182] {strides = array<i32>} : memref<8x128xi32, #tpu.memory_space<vmem>>, vector<16xi32>,
    tpu.vector_store %arg8[%swap3A_181, %swap3A_182], %add3A_179 {strides = array<i32>} : memref<8x128xi32, #tpu.memory_space<vmem>>, vector<16xi32>,
    %add3A_184 = arith.constant 224 : i32
    %add3A_185 = vector.broadcast %add3A_184 : i32 to vector<16xi32>
    %add3A_186 = arith.addi %add3A_185, %iota3A : vector<16xi32>
    %mul3A_187 = arith.constant 450 : i32
    %mul3A_188 = vector.broadcast %mul3A_187 : i32 to vector<16xi32>
    %mul3A_189 = arith.muli %add3A_186, %mul3A_188 : vector<16xi32>
    %add3A_190 = arith.addi %add3A_27, %mul3A_189 : vector<16xi32>
    %swap3A_191 = arith.constant 1 : i32
    %swap3A_192 = arith.index_cast %swap3A_191 : i32 to index
    %swap3A_193 = arith.constant 96 : index
    %swap3A_194 = tpu.vector_load %arg8[%swap3A_192, %swap3A_193] {strides = array<i32>} : memref<8x128xi32, #tpu.memory_space<vmem>>, vector<16xi32>,
    tpu.vector_store %arg8[%swap3A_192, %swap3A_193], %add3A_190 {strides = array<i32>} : memref<8x128xi32, #tpu.memory_space<vmem>>, vector<16xi32>,
    %add3A_195 = arith.constant 240 : i32
    %add3A_196 = vector.broadcast %add3A_195 : i32 to vector<16xi32>
    %add3A_197 = arith.addi %add3A_196, %iota3A : vector<16xi32>
    %mul3A_198 = arith.constant 450 : i32
    %mul3A_199 = vector.broadcast %mul3A_198 : i32 to vector<16xi32>
    %mul3A_200 = arith.muli %add3A_197, %mul3A_199 : vector<16xi32>
    %add3A_201 = arith.addi %add3A_27, %mul3A_200 : vector<16xi32>
    %swap3A_202 = arith.constant 1 : i32
    %swap3A_203 = arith.index_cast %swap3A_202 : i32 to index
    %swap3A_204 = arith.constant 112 : index
    %swap3A_205 = tpu.vector_load %arg8[%swap3A_203, %swap3A_204] {strides = array<i32>} : memref<8x128xi32, #tpu.memory_space<vmem>>, vector<16xi32>,
    tpu.vector_store %arg8[%swap3A_203, %swap3A_204], %add3A_201 {strides = array<i32>} : memref<8x128xi32, #tpu.memory_space<vmem>>, vector<16xi32>,
    %dma_start3A = arith.constant 0 : i32
    %dma_start3A_206 = arith.constant 0 : i32
    %dma_start3A_207 = arith.constant 0 : i32
    %dma_start3A_208 = tpu.memref_slice %arg9[%dma_start3A_206, %dma_start3A_207] : memref<256x128xf32, #tpu.memory_space<vmem>> -> memref<128x128xf32, #tpu.memory_space<vmem>>
    %dma_start3A_209 = arith.constant 0 : i32
    %dma_start3A_210 = tpu.memref_slice %arg8[%dma_start3A, %dma_start3A_209] : memref<8x128xi32, #tpu.memory_space<vmem>> -> memref<1x128xi32, #tpu.memory_space<vmem>>
    %dma_start3A_211 = tpu.memref_squeeze %dma_start3A_210 : memref<1x128xi32, #tpu.memory_space<vmem>> -> memref<128xi32, #tpu.memory_space<vmem>>
    %dma_start3A_212 = arith.constant 0 : i32
    %dma_start3A_213 = arith.constant 0 : i32
    %dma_start3A_214 = tpu.memref_slice %arg2[%dma_start3A_212, %dma_start3A_213] : memref<460800x128xf32, #tpu.memory_space<hbm>> -> memref<460800x128xf32, #tpu.memory_space<hbm>>
    tpu.enqueue_indirect_dma source(%dma_start3A_214 : memref<460800x128xf32, #tpu.memory_space<hbm>>) target(%dma_start3A_208 : memref<128x128xf32, #tpu.memory_space<vmem>>) offsets(%dma_start3A_211 : memref<128xi32, #tpu.memory_space<vmem>>) semaphore(%arg11 : memref<!tpu.dma_semaphore, #tpu.memory_space<semaphore_mem>>)
    %dma_start3A_215 = arith.constant 1 : i32
    %dma_start3A_216 = arith.constant 128 : i32
    %dma_start3A_217 = arith.constant 0 : i32
    %dma_start3A_218 = tpu.memref_slice %arg9[%dma_start3A_216, %dma_start3A_217] : memref<256x128xf32, #tpu.memory_space<vmem>> -> memref<128x128xf32, #tpu.memory_space<vmem>>
    %dma_start3A_219 = arith.constant 0 : i32
    %dma_start3A_220 = tpu.memref_slice %arg8[%dma_start3A_215, %dma_start3A_219] : memref<8x128xi32, #tpu.memory_space<vmem>> -> memref<1x128xi32, #tpu.memory_space<vmem>>
    %dma_start3A_221 = tpu.memref_squeeze %dma_start3A_220 : memref<1x128xi32, #tpu.memory_space<vmem>> -> memref<128xi32, #tpu.memory_space<vmem>>
    %dma_start3A_222 = arith.constant 0 : i32
    %dma_start3A_223 = arith.constant 0 : i32
    %dma_start3A_224 = tpu.memref_slice %arg2[%dma_start3A_222, %dma_start3A_223] : memref<460800x128xf32, #tpu.memory_space<hbm>> -> memref<460800x128xf32, #tpu.memory_space<hbm>>
    tpu.enqueue_indirect_dma source(%dma_start3A_224 : memref<460800x128xf32, #tpu.memory_space<hbm>>) target(%dma_start3A_218 : memref<128x128xf32, #tpu.memory_space<vmem>>) offsets(%dma_start3A_221 : memref<128xi32, #tpu.memory_space<vmem>>) semaphore(%arg11 : memref<!tpu.dma_semaphore, #tpu.memory_space<semaphore_mem>>)
    %dma_wait3A = arith.constant 0 : i32
    %dma_wait3A_225 = arith.constant 0 : i32
    %dma_wait3A_226 = arith.constant 0 : i32
    %dma_wait3A_227 = tpu.memref_slice %arg9[%dma_wait3A_225, %dma_wait3A_226] : memref<256x128xf32, #tpu.memory_space<vmem>> -> memref<128x128xf32, #tpu.memory_space<vmem>>
    %dma_wait3A_228 = arith.constant 0 : i32
    %dma_wait3A_229 = tpu.memref_slice %arg8[%dma_wait3A, %dma_wait3A_228] : memref<8x128xi32, #tpu.memory_space<vmem>> -> memref<1x128xi32, #tpu.memory_space<vmem>>
    %dma_wait3A_230 = tpu.memref_squeeze %dma_wait3A_229 : memref<1x128xi32, #tpu.memory_space<vmem>> -> memref<128xi32, #tpu.memory_space<vmem>>
    %dma_wait3A_231 = arith.constant 0 : i32
    %dma_wait3A_232 = arith.constant 0 : i32
    %dma_wait3A_233 = tpu.memref_slice %arg2[%dma_wait3A_231, %dma_wait3A_232] : memref<460800x128xf32, #tpu.memory_space<hbm>> -> memref<460800x128xf32, #tpu.memory_space<hbm>>
    tpu.wait_indirect_dma semaphore(%arg11 : memref<!tpu.dma_semaphore, #tpu.memory_space<semaphore_mem>>) src(%dma_wait3A_233 : memref<460800x128xf32, #tpu.memory_space<hbm>>) dst(%dma_wait3A_227 : memref<128x128xf32, #tpu.memory_space<vmem>>)
    %dma_wait3A_234 = arith.constant 1 : i32
    %dma_wait3A_235 = arith.constant 128 : i32
    %dma_wait3A_236 = arith.constant 0 : i32
    %dma_wait3A_237 = tpu.memref_slice %arg9[%dma_wait3A_235, %dma_wait3A_236] : memref<256x128xf32, #tpu.memory_space<vmem>> -> memref<128x128xf32, #tpu.memory_space<vmem>>
    %dma_wait3A_238 = arith.constant 0 : i32
    %dma_wait3A_239 = tpu.memref_slice %arg8[%dma_wait3A_234, %dma_wait3A_238] : memref<8x128xi32, #tpu.memory_space<vmem>> -> memref<1x128xi32, #tpu.memory_space<vmem>>
    %dma_wait3A_240 = tpu.memref_squeeze %dma_wait3A_239 : memref<1x128xi32, #tpu.memory_space<vmem>> -> memref<128xi32, #tpu.memory_space<vmem>>
    %dma_wait3A_241 = arith.constant 0 : i32
    %dma_wait3A_242 = arith.constant 0 : i32
    %dma_wait3A_243 = tpu.memref_slice %arg2[%dma_wait3A_241, %dma_wait3A_242] : memref<460800x128xf32, #tpu.memory_space<hbm>> -> memref<460800x128xf32, #tpu.memory_space<hbm>>
    tpu.wait_indirect_dma semaphore(%arg11 : memref<!tpu.dma_semaphore, #tpu.memory_space<semaphore_mem>>) src(%dma_wait3A_243 : memref<460800x128xf32, #tpu.memory_space<hbm>>) dst(%dma_wait3A_237 : memref<128x128xf32, #tpu.memory_space<vmem>>)
    %add3A_244 = arith.constant 0 : i32
    %add3A_245 = vector.broadcast %add3A_244 : i32 to vector<16xi32>
    %add3A_246 = arith.addi %add3A_245, %iota3A : vector<16xi32>
    %gather3A_247 = tpu.vector_load_idx %arg9[%add3A_246, %and3A_30] : memref<256x128xf32, #tpu.memory_space<vmem>>[vector<16xi32>, vector<16xi32>], vector<16xf32>,
    %mul3A_248 = arith.mulf %gather3A_247, %gather3A_5 : vector<16xf32>
    %swap3A_249 = arith.constant 0 : index
    %swap3A_250 = tpu.vector_load %arg10[%swap3A_249] {strides = array<i32>} : memref<1024xf32, #tpu.memory_space<vmem>>, vector<16xf32>,
    tpu.vector_store %arg10[%swap3A_249], %mul3A_248 {strides = array<i32>} : memref<1024xf32, #tpu.memory_space<vmem>>, vector<16xf32>,
    %add3A_251 = arith.constant 16 : i32
    %add3A_252 = vector.broadcast %add3A_251 : i32 to vector<16xi32>
    %add3A_253 = arith.addi %add3A_252, %iota3A : vector<16xi32>
    %gather3A_254 = tpu.vector_load_idx %arg9[%add3A_253, %and3A_30] : memref<256x128xf32, #tpu.memory_space<vmem>>[vector<16xi32>, vector<16xi32>], vector<16xf32>,
    %mul3A_255 = arith.mulf %gather3A_254, %gather3A_5 : vector<16xf32>
    %swap3A_256 = arith.constant 16 : index
    %swap3A_257 = tpu.vector_load %arg10[%swap3A_256] {strides = array<i32>} : memref<1024xf32, #tpu.memory_space<vmem>>, vector<16xf32>,
    tpu.vector_store %arg10[%swap3A_256], %mul3A_255 {strides = array<i32>} : memref<1024xf32, #tpu.memory_space<vmem>>, vector<16xf32>,
    %add3A_258 = arith.constant 32 : i32
    %add3A_259 = vector.broadcast %add3A_258 : i32 to vector<16xi32>
    %add3A_260 = arith.addi %add3A_259, %iota3A : vector<16xi32>
    %gather3A_261 = tpu.vector_load_idx %arg9[%add3A_260, %and3A_30] : memref<256x128xf32, #tpu.memory_space<vmem>>[vector<16xi32>, vector<16xi32>], vector<16xf32>,
    %mul3A_262 = arith.mulf %gather3A_261, %gather3A_5 : vector<16xf32>
    %swap3A_263 = arith.constant 32 : index
    %swap3A_264 = tpu.vector_load %arg10[%swap3A_263] {strides = array<i32>} : memref<1024xf32, #tpu.memory_space<vmem>>, vector<16xf32>,
    tpu.vector_store %arg10[%swap3A_263], %mul3A_262 {strides = array<i32>} : memref<1024xf32, #tpu.memory_space<vmem>>, vector<16xf32>,
    %add3A_265 = arith.constant 48 : i32
    %add3A_266 = vector.broadcast %add3A_265 : i32 to vector<16xi32>
    %add3A_267 = arith.addi %add3A_266, %iota3A : vector<16xi32>
    %gather3A_268 = tpu.vector_load_idx %arg9[%add3A_267, %and3A_30] : memref<256x128xf32, #tpu.memory_space<vmem>>[vector<16xi32>, vector<16xi32>], vector<16xf32>,
    %mul3A_269 = arith.mulf %gather3A_268, %gather3A_5 : vector<16xf32>
    %swap3A_270 = arith.constant 48 : index
    %swap3A_271 = tpu.vector_load %arg10[%swap3A_270] {strides = array<i32>} : memref<1024xf32, #tpu.memory_space<vmem>>, vector<16xf32>,
    tpu.vector_store %arg10[%swap3A_270], %mul3A_269 {strides = array<i32>} : memref<1024xf32, #tpu.memory_space<vmem>>, vector<16xf32>,
    %add3A_272 = arith.constant 64 : i32
    %add3A_273 = vector.broadcast %add3A_272 : i32 to vector<16xi32>
    %add3A_274 = arith.addi %add3A_273, %iota3A : vector<16xi32>
    %gather3A_275 = tpu.vector_load_idx %arg9[%add3A_274, %and3A_30] : memref<256x128xf32, #tpu.memory_space<vmem>>[vector<16xi32>, vector<16xi32>], vector<16xf32>,
    %mul3A_276 = arith.mulf %gather3A_275, %gather3A_5 : vector<16xf32>
    %swap3A_277 = arith.constant 64 : index
    %swap3A_278 = tpu.vector_load %arg10[%swap3A_277] {strides = array<i32>} : memref<1024xf32, #tpu.memory_space<vmem>>, vector<16xf32>,
    tpu.vector_store %arg10[%swap3A_277], %mul3A_276 {strides = array<i32>} : memref<1024xf32, #tpu.memory_space<vmem>>, vector<16xf32>,
    %add3A_279 = arith.constant 80 : i32
    %add3A_280 = vector.broadcast %add3A_279 : i32 to vector<16xi32>
    %add3A_281 = arith.addi %add3A_280, %iota3A : vector<16xi32>
    %gather3A_282 = tpu.vector_load_idx %arg9[%add3A_281, %and3A_30] : memref<256x128xf32, #tpu.memory_space<vmem>>[vector<16xi32>, vector<16xi32>], vector<16xf32>,
    %mul3A_283 = arith.mulf %gather3A_282, %gather3A_5 : vector<16xf32>
    %swap3A_284 = arith.constant 80 : index
    %swap3A_285 = tpu.vector_load %arg10[%swap3A_284] {strides = array<i32>} : memref<1024xf32, #tpu.memory_space<vmem>>, vector<16xf32>,
    tpu.vector_store %arg10[%swap3A_284], %mul3A_283 {strides = array<i32>} : memref<1024xf32, #tpu.memory_space<vmem>>, vector<16xf32>,
    %add3A_286 = arith.constant 96 : i32
    %add3A_287 = vector.broadcast %add3A_286 : i32 to vector<16xi32>
    %add3A_288 = arith.addi %add3A_287, %iota3A : vector<16xi32>
    %gather3A_289 = tpu.vector_load_idx %arg9[%add3A_288, %and3A_30] : memref<256x128xf32, #tpu.memory_space<vmem>>[vector<16xi32>, vector<16xi32>], vector<16xf32>,
    %mul3A_290 = arith.mulf %gather3A_289, %gather3A_5 : vector<16xf32>
    %swap3A_291 = arith.constant 96 : index
    %swap3A_292 = tpu.vector_load %arg10[%swap3A_291] {strides = array<i32>} : memref<1024xf32, #tpu.memory_space<vmem>>, vector<16xf32>,
    tpu.vector_store %arg10[%swap3A_291], %mul3A_290 {strides = array<i32>} : memref<1024xf32, #tpu.memory_space<vmem>>, vector<16xf32>,
    %add3A_293 = arith.constant 112 : i32
    %add3A_294 = vector.broadcast %add3A_293 : i32 to vector<16xi32>
    %add3A_295 = arith.addi %add3A_294, %iota3A : vector<16xi32>
    %gather3A_296 = tpu.vector_load_idx %arg9[%add3A_295, %and3A_30] : memref<256x128xf32, #tpu.memory_space<vmem>>[vector<16xi32>, vector<16xi32>], vector<16xf32>,
    %mul3A_297 = arith.mulf %gather3A_296, %gather3A_5 : vector<16xf32>
    %swap3A_298 = arith.constant 112 : index
    %swap3A_299 = tpu.vector_load %arg10[%swap3A_298] {strides = array<i32>} : memref<1024xf32, #tpu.memory_space<vmem>>, vector<16xf32>,
    tpu.vector_store %arg10[%swap3A_298], %mul3A_297 {strides = array<i32>} : memref<1024xf32, #tpu.memory_space<vmem>>, vector<16xf32>,
    %add3A_300 = arith.constant 128 : i32
    %add3A_301 = vector.broadcast %add3A_300 : i32 to vector<16xi32>
    %add3A_302 = arith.addi %add3A_301, %iota3A : vector<16xi32>
    %gather3A_303 = tpu.vector_load_idx %arg9[%add3A_302, %and3A_30] : memref<256x128xf32, #tpu.memory_space<vmem>>[vector<16xi32>, vector<16xi32>], vector<16xf32>,
    %mul3A_304 = arith.mulf %gather3A_303, %gather3A_5 : vector<16xf32>
    %swap3A_305 = arith.constant 128 : index
    %swap3A_306 = tpu.vector_load %arg10[%swap3A_305] {strides = array<i32>} : memref<1024xf32, #tpu.memory_space<vmem>>, vector<16xf32>,
    tpu.vector_store %arg10[%swap3A_305], %mul3A_304 {strides = array<i32>} : memref<1024xf32, #tpu.memory_space<vmem>>, vector<16xf32>,
    %add3A_307 = arith.constant 144 : i32
    %add3A_308 = vector.broadcast %add3A_307 : i32 to vector<16xi32>
    %add3A_309 = arith.addi %add3A_308, %iota3A : vector<16xi32>
    %gather3A_310 = tpu.vector_load_idx %arg9[%add3A_309, %and3A_30] : memref<256x128xf32, #tpu.memory_space<vmem>>[vector<16xi32>, vector<16xi32>], vector<16xf32>,
    %mul3A_311 = arith.mulf %gather3A_310, %gather3A_5 : vector<16xf32>
    %swap3A_312 = arith.constant 144 : index
    %swap3A_313 = tpu.vector_load %arg10[%swap3A_312] {strides = array<i32>} : memref<1024xf32, #tpu.memory_space<vmem>>, vector<16xf32>,
    tpu.vector_store %arg10[%swap3A_312], %mul3A_311 {strides = array<i32>} : memref<1024xf32, #tpu.memory_space<vmem>>, vector<16xf32>,
    %add3A_314 = arith.constant 160 : i32
    %add3A_315 = vector.broadcast %add3A_314 : i32 to vector<16xi32>
    %add3A_316 = arith.addi %add3A_315, %iota3A : vector<16xi32>
    %gather3A_317 = tpu.vector_load_idx %arg9[%add3A_316, %and3A_30] : memref<256x128xf32, #tpu.memory_space<vmem>>[vector<16xi32>, vector<16xi32>], vector<16xf32>,
    %mul3A_318 = arith.mulf %gather3A_317, %gather3A_5 : vector<16xf32>
    %swap3A_319 = arith.constant 160 : index
    %swap3A_320 = tpu.vector_load %arg10[%swap3A_319] {strides = array<i32>} : memref<1024xf32, #tpu.memory_space<vmem>>, vector<16xf32>,
    tpu.vector_store %arg10[%swap3A_319], %mul3A_318 {strides = array<i32>} : memref<1024xf32, #tpu.memory_space<vmem>>, vector<16xf32>,
    %add3A_321 = arith.constant 176 : i32
    %add3A_322 = vector.broadcast %add3A_321 : i32 to vector<16xi32>
    %add3A_323 = arith.addi %add3A_322, %iota3A : vector<16xi32>
    %gather3A_324 = tpu.vector_load_idx %arg9[%add3A_323, %and3A_30] : memref<256x128xf32, #tpu.memory_space<vmem>>[vector<16xi32>, vector<16xi32>], vector<16xf32>,
    %mul3A_325 = arith.mulf %gather3A_324, %gather3A_5 : vector<16xf32>
    %swap3A_326 = arith.constant 176 : index
    %swap3A_327 = tpu.vector_load %arg10[%swap3A_326] {strides = array<i32>} : memref<1024xf32, #tpu.memory_space<vmem>>, vector<16xf32>,
    tpu.vector_store %arg10[%swap3A_326], %mul3A_325 {strides = array<i32>} : memref<1024xf32, #tpu.memory_space<vmem>>, vector<16xf32>,
    %add3A_328 = arith.constant 192 : i32
    %add3A_329 = vector.broadcast %add3A_328 : i32 to vector<16xi32>
    %add3A_330 = arith.addi %add3A_329, %iota3A : vector<16xi32>
    %gather3A_331 = tpu.vector_load_idx %arg9[%add3A_330, %and3A_30] : memref<256x128xf32, #tpu.memory_space<vmem>>[vector<16xi32>, vector<16xi32>], vector<16xf32>,
    %mul3A_332 = arith.mulf %gather3A_331, %gather3A_5 : vector<16xf32>
    %swap3A_333 = arith.constant 192 : index
    %swap3A_334 = tpu.vector_load %arg10[%swap3A_333] {strides = array<i32>} : memref<1024xf32, #tpu.memory_space<vmem>>, vector<16xf32>,
    tpu.vector_store %arg10[%swap3A_333], %mul3A_332 {strides = array<i32>} : memref<1024xf32, #tpu.memory_space<vmem>>, vector<16xf32>,
    %add3A_335 = arith.constant 208 : i32
    %add3A_336 = vector.broadcast %add3A_335 : i32 to vector<16xi32>
    %add3A_337 = arith.addi %add3A_336, %iota3A : vector<16xi32>
    %gather3A_338 = tpu.vector_load_idx %arg9[%add3A_337, %and3A_30] : memref<256x128xf32, #tpu.memory_space<vmem>>[vector<16xi32>, vector<16xi32>], vector<16xf32>,
    %mul3A_339 = arith.mulf %gather3A_338, %gather3A_5 : vector<16xf32>
    %swap3A_340 = arith.constant 208 : index
    %swap3A_341 = tpu.vector_load %arg10[%swap3A_340] {strides = array<i32>} : memref<1024xf32, #tpu.memory_space<vmem>>, vector<16xf32>,
    tpu.vector_store %arg10[%swap3A_340], %mul3A_339 {strides = array<i32>} : memref<1024xf32, #tpu.memory_space<vmem>>, vector<16xf32>,
    %add3A_342 = arith.constant 224 : i32
    %add3A_343 = vector.broadcast %add3A_342 : i32 to vector<16xi32>
    %add3A_344 = arith.addi %add3A_343, %iota3A : vector<16xi32>
    %gather3A_345 = tpu.vector_load_idx %arg9[%add3A_344, %and3A_30] : memref<256x128xf32, #tpu.memory_space<vmem>>[vector<16xi32>, vector<16xi32>], vector<16xf32>,
    %mul3A_346 = arith.mulf %gather3A_345, %gather3A_5 : vector<16xf32>
    %swap3A_347 = arith.constant 224 : index
    %swap3A_348 = tpu.vector_load %arg10[%swap3A_347] {strides = array<i32>} : memref<1024xf32, #tpu.memory_space<vmem>>, vector<16xf32>,
    tpu.vector_store %arg10[%swap3A_347], %mul3A_346 {strides = array<i32>} : memref<1024xf32, #tpu.memory_space<vmem>>, vector<16xf32>,
    %add3A_349 = arith.constant 240 : i32
    %add3A_350 = vector.broadcast %add3A_349 : i32 to vector<16xi32>
    %add3A_351 = arith.addi %add3A_350, %iota3A : vector<16xi32>
    %gather3A_352 = tpu.vector_load_idx %arg9[%add3A_351, %and3A_30] : memref<256x128xf32, #tpu.memory_space<vmem>>[vector<16xi32>, vector<16xi32>], vector<16xf32>,
    %mul3A_353 = arith.mulf %gather3A_352, %gather3A_5 : vector<16xf32>
    %swap3A_354 = arith.constant 240 : index
    %swap3A_355 = tpu.vector_load %arg10[%swap3A_354] {strides = array<i32>} : memref<1024xf32, #tpu.memory_space<vmem>>, vector<16xf32>,
    tpu.vector_store %arg10[%swap3A_354], %mul3A_353 {strides = array<i32>} : memref<1024xf32, #tpu.memory_space<vmem>>, vector<16xf32>,
    %mul3A_356 = arith.constant 4 : i32
    %mul3A_357 = arith.muli %add3A, %mul3A_356 : i32
    %add3A_358 = arith.constant 1 : i32
    %add3A_359 = arith.addi %mul3A_357, %add3A_358 : i32
    %broadcast_in_dim3A_360 = vector.broadcast %add3A_359 : i32 to vector<16xi32>
    %gather3A_361 = tpu.vector_load_idx %arg6[%broadcast_in_dim3A_360] : memref<128xi32, #tpu.memory_space<vmem>>[vector<16xi32>], vector<16xi32>,
    %gather3A_362 = tpu.vector_load_idx %arg7[%broadcast_in_dim3A_360] : memref<128xf32, #tpu.memory_space<vmem>>[vector<16xi32>], vector<16xf32>,
    %jit3A_363 = arith.constant 32 : i32
    %div3A_364 = arith.divsi %add3A_359, %jit3A_363 : i32
    %sign3A_365 = arith.constant 0 : i32
    %sign3A_366 = arith.cmpi sgt, %add3A_359, %sign3A_365 : i32
    %sign3A_367 = arith.extui %sign3A_366 : i1 to i32
    %sign3A_368 = arith.constant 0 : i32
    %sign3A_369 = arith.cmpi slt, %add3A_359, %sign3A_368 : i32
    %sign3A_370 = arith.extui %sign3A_369 : i1 to i32
    %sign3A_371 = arith.subi %sign3A_367, %sign3A_370 : i32
    %sign3A_372 = arith.constant 0 : i32
    %sign3A_373 = arith.cmpi sgt, %jit3A_363, %sign3A_372 : i32
    %sign3A_374 = arith.extui %sign3A_373 : i1 to i32
    %sign3A_375 = arith.constant 0 : i32
    %sign3A_376 = arith.cmpi slt, %jit3A_363, %sign3A_375 : i32
    %sign3A_377 = arith.extui %sign3A_376 : i1 to i32
    %sign3A_378 = arith.subi %sign3A_374, %sign3A_377 : i32
    %ne3A_379 = arith.cmpi ne, %sign3A_371, %sign3A_378 : i32
    %rem3A_380 = arith.remsi %add3A_359, %jit3A_363 : i32
    %ne3A_381 = arith.constant 0 : i32
    %ne3A_382 = arith.cmpi ne, %rem3A_380, %ne3A_381 : i32
    %and3A_383 = arith.andi %ne3A_379, %ne3A_382 : i1
    %sub3A_384 = arith.constant 1 : i32
    %sub3A_385 = arith.subi %div3A_364, %sub3A_384 : i32
    %select_n3A_386 = arith.select %and3A_383, %sub3A_385, %div3A_364 : i32
    %mul3A_387 = arith.constant 115200 : i32
    %mul3A_388 = arith.muli %select_n3A_386, %mul3A_387 : i32
    %shift_right_arithmetic3A_389 = arith.constant 7 : i32
    %shift_right_arithmetic3A_390 = vector.broadcast %shift_right_arithmetic3A_389 : i32 to vector<16xi32>
    %shift_right_arithmetic3A_391 = arith.shrsi %gather3A_361, %shift_right_arithmetic3A_390 : vector<16xi32>
    %add3A_392 = vector.broadcast %mul3A_388 : i32 to vector<16xi32>
    %add3A_393 = arith.addi %add3A_392, %shift_right_arithmetic3A_391 : vector<16xi32>
    %and3A_394 = arith.constant 127 : i32
    %and3A_395 = vector.broadcast %and3A_394 : i32 to vector<16xi32>
    %and3A_396 = arith.andi %gather3A_361, %and3A_395 : vector<16xi32>
    %add3A_397 = arith.constant 0 : i32
    %add3A_398 = vector.broadcast %add3A_397 : i32 to vector<16xi32>
    %add3A_399 = arith.addi %add3A_398, %iota3A : vector<16xi32>
    %mul3A_400 = arith.constant 450 : i32
    %mul3A_401 = vector.broadcast %mul3A_400 : i32 to vector<16xi32>
    %mul3A_402 = arith.muli %add3A_399, %mul3A_401 : vector<16xi32>
    %add3A_403 = arith.addi %add3A_393, %mul3A_402 : vector<16xi32>
    %swap3A_404 = arith.constant 2 : i32
    %swap3A_405 = arith.index_cast %swap3A_404 : i32 to index
    %swap3A_406 = arith.constant 0 : index
    %swap3A_407 = tpu.vector_load %arg8[%swap3A_405, %swap3A_406] {strides = array<i32>} : memref<8x128xi32, #tpu.memory_space<vmem>>, vector<16xi32>,
    tpu.vector_store %arg8[%swap3A_405, %swap3A_406], %add3A_403 {strides = array<i32>} : memref<8x128xi32, #tpu.memory_space<vmem>>, vector<16xi32>,
    %add3A_408 = arith.constant 16 : i32
    %add3A_409 = vector.broadcast %add3A_408 : i32 to vector<16xi32>
    %add3A_410 = arith.addi %add3A_409, %iota3A : vector<16xi32>
    %mul3A_411 = arith.constant 450 : i32
    %mul3A_412 = vector.broadcast %mul3A_411 : i32 to vector<16xi32>
    %mul3A_413 = arith.muli %add3A_410, %mul3A_412 : vector<16xi32>
    %add3A_414 = arith.addi %add3A_393, %mul3A_413 : vector<16xi32>
    %swap3A_415 = arith.constant 2 : i32
    %swap3A_416 = arith.index_cast %swap3A_415 : i32 to index
    %swap3A_417 = arith.constant 16 : index
    %swap3A_418 = tpu.vector_load %arg8[%swap3A_416, %swap3A_417] {strides = array<i32>} : memref<8x128xi32, #tpu.memory_space<vmem>>, vector<16xi32>,
    tpu.vector_store %arg8[%swap3A_416, %swap3A_417], %add3A_414 {strides = array<i32>} : memref<8x128xi32, #tpu.memory_space<vmem>>, vector<16xi32>,
    %add3A_419 = arith.constant 32 : i32
    %add3A_420 = vector.broadcast %add3A_419 : i32 to vector<16xi32>
    %add3A_421 = arith.addi %add3A_420, %iota3A : vector<16xi32>
    %mul3A_422 = arith.constant 450 : i32
    %mul3A_423 = vector.broadcast %mul3A_422 : i32 to vector<16xi32>
    %mul3A_424 = arith.muli %add3A_421, %mul3A_423 : vector<16xi32>
    %add3A_425 = arith.addi %add3A_393, %mul3A_424 : vector<16xi32>
    %swap3A_426 = arith.constant 2 : i32
    %swap3A_427 = arith.index_cast %swap3A_426 : i32 to index
    %swap3A_428 = arith.constant 32 : index
    %swap3A_429 = tpu.vector_load %arg8[%swap3A_427, %swap3A_428] {strides = array<i32>} : memref<8x128xi32, #tpu.memory_space<vmem>>, vector<16xi32>,
    tpu.vector_store %arg8[%swap3A_427, %swap3A_428], %add3A_425 {strides = array<i32>} : memref<8x128xi32, #tpu.memory_space<vmem>>, vector<16xi32>,
    %add3A_430 = arith.constant 48 : i32
    %add3A_431 = vector.broadcast %add3A_430 : i32 to vector<16xi32>
    %add3A_432 = arith.addi %add3A_431, %iota3A : vector<16xi32>
    %mul3A_433 = arith.constant 450 : i32
    %mul3A_434 = vector.broadcast %mul3A_433 : i32 to vector<16xi32>
    %mul3A_435 = arith.muli %add3A_432, %mul3A_434 : vector<16xi32>
    %add3A_436 = arith.addi %add3A_393, %mul3A_435 : vector<16xi32>
    %swap3A_437 = arith.constant 2 : i32
    %swap3A_438 = arith.index_cast %swap3A_437 : i32 to index
    %swap3A_439 = arith.constant 48 : index
    %swap3A_440 = tpu.vector_load %arg8[%swap3A_438, %swap3A_439] {strides = array<i32>} : memref<8x128xi32, #tpu.memory_space<vmem>>, vector<16xi32>,
    tpu.vector_store %arg8[%swap3A_438, %swap3A_439], %add3A_436 {strides = array<i32>} : memref<8x128xi32, #tpu.memory_space<vmem>>, vector<16xi32>,
    %add3A_441 = arith.constant 64 : i32
    %add3A_442 = vector.broadcast %add3A_441 : i32 to vector<16xi32>
    %add3A_443 = arith.addi %add3A_442, %iota3A : vector<16xi32>
    %mul3A_444 = arith.constant 450 : i32
    %mul3A_445 = vector.broadcast %mul3A_444 : i32 to vector<16xi32>
    %mul3A_446 = arith.muli %add3A_443, %mul3A_445 : vector<16xi32>
    %add3A_447 = arith.addi %add3A_393, %mul3A_446 : vector<16xi32>
    %swap3A_448 = arith.constant 2 : i32
    %swap3A_449 = arith.index_cast %swap3A_448 : i32 to index
    %swap3A_450 = arith.constant 64 : index
    %swap3A_451 = tpu.vector_load %arg8[%swap3A_449, %swap3A_450] {strides = array<i32>} : memref<8x128xi32, #tpu.memory_space<vmem>>, vector<16xi32>,
    tpu.vector_store %arg8[%swap3A_449, %swap3A_450], %add3A_447 {strides = array<i32>} : memref<8x128xi32, #tpu.memory_space<vmem>>, vector<16xi32>,
    %add3A_452 = arith.constant 80 : i32
    %add3A_453 = vector.broadcast %add3A_452 : i32 to vector<16xi32>
    %add3A_454 = arith.addi %add3A_453, %iota3A : vector<16xi32>
    %mul3A_455 = arith.constant 450 : i32
    %mul3A_456 = vector.broadcast %mul3A_455 : i32 to vector<16xi32>
    %mul3A_457 = arith.muli %add3A_454, %mul3A_456 : vector<16xi32>
    %add3A_458 = arith.addi %add3A_393, %mul3A_457 : vector<16xi32>
    %swap3A_459 = arith.constant 2 : i32
    %swap3A_460 = arith.index_cast %swap3A_459 : i32 to index
    %swap3A_461 = arith.constant 80 : index
    %swap3A_462 = tpu.vector_load %arg8[%swap3A_460, %swap3A_461] {strides = array<i32>} : memref<8x128xi32, #tpu.memory_space<vmem>>, vector<16xi32>,
    tpu.vector_store %arg8[%swap3A_460, %swap3A_461], %add3A_458 {strides = array<i32>} : memref<8x128xi32, #tpu.memory_space<vmem>>, vector<16xi32>,
    %add3A_463 = arith.constant 96 : i32
    %add3A_464 = vector.broadcast %add3A_463 : i32 to vector<16xi32>
    %add3A_465 = arith.addi %add3A_464, %iota3A : vector<16xi32>
    %mul3A_466 = arith.constant 450 : i32
    %mul3A_467 = vector.broadcast %mul3A_466 : i32 to vector<16xi32>
    %mul3A_468 = arith.muli %add3A_465, %mul3A_467 : vector<16xi32>
    %add3A_469 = arith.addi %add3A_393, %mul3A_468 : vector<16xi32>
    %swap3A_470 = arith.constant 2 : i32
    %swap3A_471 = arith.index_cast %swap3A_470 : i32 to index
    %swap3A_472 = arith.constant 96 : index
    %swap3A_473 = tpu.vector_load %arg8[%swap3A_471, %swap3A_472] {strides = array<i32>} : memref<8x128xi32, #tpu.memory_space<vmem>>, vector<16xi32>,
    tpu.vector_store %arg8[%swap3A_471, %swap3A_472], %add3A_469 {strides = array<i32>} : memref<8x128xi32, #tpu.memory_space<vmem>>, vector<16xi32>,
    %add3A_474 = arith.constant 112 : i32
    %add3A_475 = vector.broadcast %add3A_474 : i32 to vector<16xi32>
    %add3A_476 = arith.addi %add3A_475, %iota3A : vector<16xi32>
    %mul3A_477 = arith.constant 450 : i32
    %mul3A_478 = vector.broadcast %mul3A_477 : i32 to vector<16xi32>
    %mul3A_479 = arith.muli %add3A_476, %mul3A_478 : vector<16xi32>
    %add3A_480 = arith.addi %add3A_393, %mul3A_479 : vector<16xi32>
    %swap3A_481 = arith.constant 2 : i32
    %swap3A_482 = arith.index_cast %swap3A_481 : i32 to index
    %swap3A_483 = arith.constant 112 : index
    %swap3A_484 = tpu.vector_load %arg8[%swap3A_482, %swap3A_483] {strides = array<i32>} : memref<8x128xi32, #tpu.memory_space<vmem>>, vector<16xi32>,
    tpu.vector_store %arg8[%swap3A_482, %swap3A_483], %add3A_480 {strides = array<i32>} : memref<8x128xi32, #tpu.memory_space<vmem>>, vector<16xi32>,
    %add3A_485 = arith.constant 128 : i32
    %add3A_486 = vector.broadcast %add3A_485 : i32 to vector<16xi32>
    %add3A_487 = arith.addi %add3A_486, %iota3A : vector<16xi32>
    %mul3A_488 = arith.constant 450 : i32
    %mul3A_489 = vector.broadcast %mul3A_488 : i32 to vector<16xi32>
    %mul3A_490 = arith.muli %add3A_487, %mul3A_489 : vector<16xi32>
    %add3A_491 = arith.addi %add3A_393, %mul3A_490 : vector<16xi32>
    %swap3A_492 = arith.constant 3 : i32
    %swap3A_493 = arith.index_cast %swap3A_492 : i32 to index
    %swap3A_494 = arith.constant 0 : index
    %swap3A_495 = tpu.vector_load %arg8[%swap3A_493, %swap3A_494] {strides = array<i32>} : memref<8x128xi32, #tpu.memory_space<vmem>>, vector<16xi32>,
    tpu.vector_store %arg8[%swap3A_493, %swap3A_494], %add3A_491 {strides = array<i32>} : memref<8x128xi32, #tpu.memory_space<vmem>>, vector<16xi32>,
    %add3A_496 = arith.constant 144 : i32
    %add3A_497 = vector.broadcast %add3A_496 : i32 to vector<16xi32>
    %add3A_498 = arith.addi %add3A_497, %iota3A : vector<16xi32>
    %mul3A_499 = arith.constant 450 : i32
    %mul3A_500 = vector.broadcast %mul3A_499 : i32 to vector<16xi32>
    %mul3A_501 = arith.muli %add3A_498, %mul3A_500 : vector<16xi32>
    %add3A_502 = arith.addi %add3A_393, %mul3A_501 : vector<16xi32>
    %swap3A_503 = arith.constant 3 : i32
    %swap3A_504 = arith.index_cast %swap3A_503 : i32 to index
    %swap3A_505 = arith.constant 16 : index
    %swap3A_506 = tpu.vector_load %arg8[%swap3A_504, %swap3A_505] {strides = array<i32>} : memref<8x128xi32, #tpu.memory_space<vmem>>, vector<16xi32>,
    tpu.vector_store %arg8[%swap3A_504, %swap3A_505], %add3A_502 {strides = array<i32>} : memref<8x128xi32, #tpu.memory_space<vmem>>, vector<16xi32>,
    %add3A_507 = arith.constant 160 : i32
    %add3A_508 = vector.broadcast %add3A_507 : i32 to vector<16xi32>
    %add3A_509 = arith.addi %add3A_508, %iota3A : vector<16xi32>
    %mul3A_510 = arith.constant 450 : i32
    %mul3A_511 = vector.broadcast %mul3A_510 : i32 to vector<16xi32>
    %mul3A_512 = arith.muli %add3A_509, %mul3A_511 : vector<16xi32>
    %add3A_513 = arith.addi %add3A_393, %mul3A_512 : vector<16xi32>
    %swap3A_514 = arith.constant 3 : i32
    %swap3A_515 = arith.index_cast %swap3A_514 : i32 to index
    %swap3A_516 = arith.constant 32 : index
    %swap3A_517 = tpu.vector_load %arg8[%swap3A_515, %swap3A_516] {strides = array<i32>} : memref<8x128xi32, #tpu.memory_space<vmem>>, vector<16xi32>,
    tpu.vector_store %arg8[%swap3A_515, %swap3A_516], %add3A_513 {strides = array<i32>} : memref<8x128xi32, #tpu.memory_space<vmem>>, vector<16xi32>,
    %add3A_518 = arith.constant 176 : i32
    %add3A_519 = vector.broadcast %add3A_518 : i32 to vector<16xi32>
    %add3A_520 = arith.addi %add3A_519, %iota3A : vector<16xi32>
    %mul3A_521 = arith.constant 450 : i32
    %mul3A_522 = vector.broadcast %mul3A_521 : i32 to vector<16xi32>
    %mul3A_523 = arith.muli %add3A_520, %mul3A_522 : vector<16xi32>
    %add3A_524 = arith.addi %add3A_393, %mul3A_523 : vector<16xi32>
    %swap3A_525 = arith.constant 3 : i32
    %swap3A_526 = arith.index_cast %swap3A_525 : i32 to index
    %swap3A_527 = arith.constant 48 : index
    %swap3A_528 = tpu.vector_load %arg8[%swap3A_526, %swap3A_527] {strides = array<i32>} : memref<8x128xi32, #tpu.memory_space<vmem>>, vector<16xi32>,
    tpu.vector_store %arg8[%swap3A_526, %swap3A_527], %add3A_524 {strides = array<i32>} : memref<8x128xi32, #tpu.memory_space<vmem>>, vector<16xi32>,
    %add3A_529 = arith.constant 192 : i32
    %add3A_530 = vector.broadcast %add3A_529 : i32 to vector<16xi32>
    %add3A_531 = arith.addi %add3A_530, %iota3A : vector<16xi32>
    %mul3A_532 = arith.constant 450 : i32
    %mul3A_533 = vector.broadcast %mul3A_532 : i32 to vector<16xi32>
    %mul3A_534 = arith.muli %add3A_531, %mul3A_533 : vector<16xi32>
    %add3A_535 = arith.addi %add3A_393, %mul3A_534 : vector<16xi32>
    %swap3A_536 = arith.constant 3 : i32
    %swap3A_537 = arith.index_cast %swap3A_536 : i32 to index
    %swap3A_538 = arith.constant 64 : index
    %swap3A_539 = tpu.vector_load %arg8[%swap3A_537, %swap3A_538] {strides = array<i32>} : memref<8x128xi32, #tpu.memory_space<vmem>>, vector<16xi32>,
    tpu.vector_store %arg8[%swap3A_537, %swap3A_538], %add3A_535 {strides = array<i32>} : memref<8x128xi32, #tpu.memory_space<vmem>>, vector<16xi32>,
    %add3A_540 = arith.constant 208 : i32
    %add3A_541 = vector.broadcast %add3A_540 : i32 to vector<16xi32>
    %add3A_542 = arith.addi %add3A_541, %iota3A : vector<16xi32>
    %mul3A_543 = arith.constant 450 : i32
    %mul3A_544 = vector.broadcast %mul3A_543 : i32 to vector<16xi32>
    %mul3A_545 = arith.muli %add3A_542, %mul3A_544 : vector<16xi32>
    %add3A_546 = arith.addi %add3A_393, %mul3A_545 : vector<16xi32>
    %swap3A_547 = arith.constant 3 : i32
    %swap3A_548 = arith.index_cast %swap3A_547 : i32 to index
    %swap3A_549 = arith.constant 80 : index
    %swap3A_550 = tpu.vector_load %arg8[%swap3A_548, %swap3A_549] {strides = array<i32>} : memref<8x128xi32, #tpu.memory_space<vmem>>, vector<16xi32>,
    tpu.vector_store %arg8[%swap3A_548, %swap3A_549], %add3A_546 {strides = array<i32>} : memref<8x128xi32, #tpu.memory_space<vmem>>, vector<16xi32>,
    %add3A_551 = arith.constant 224 : i32
    %add3A_552 = vector.broadcast %add3A_551 : i32 to vector<16xi32>
    %add3A_553 = arith.addi %add3A_552, %iota3A : vector<16xi32>
    %mul3A_554 = arith.constant 450 : i32
    %mul3A_555 = vector.broadcast %mul3A_554 : i32 to vector<16xi32>
    %mul3A_556 = arith.muli %add3A_553, %mul3A_555 : vector<16xi32>
    %add3A_557 = arith.addi %add3A_393, %mul3A_556 : vector<16xi32>
    %swap3A_558 = arith.constant 3 : i32
    %swap3A_559 = arith.index_cast %swap3A_558 : i32 to index
    %swap3A_560 = arith.constant 96 : index
    %swap3A_561 = tpu.vector_load %arg8[%swap3A_559, %swap3A_560] {strides = array<i32>} : memref<8x128xi32, #tpu.memory_space<vmem>>, vector<16xi32>,
    tpu.vector_store %arg8[%swap3A_559, %swap3A_560], %add3A_557 {strides = array<i32>} : memref<8x128xi32, #tpu.memory_space<vmem>>, vector<16xi32>,
    %add3A_562 = arith.constant 240 : i32
    %add3A_563 = vector.broadcast %add3A_562 : i32 to vector<16xi32>
    %add3A_564 = arith.addi %add3A_563, %iota3A : vector<16xi32>
    %mul3A_565 = arith.constant 450 : i32
    %mul3A_566 = vector.broadcast %mul3A_565 : i32 to vector<16xi32>
    %mul3A_567 = arith.muli %add3A_564, %mul3A_566 : vector<16xi32>
    %add3A_568 = arith.addi %add3A_393, %mul3A_567 : vector<16xi32>
    %swap3A_569 = arith.constant 3 : i32
    %swap3A_570 = arith.index_cast %swap3A_569 : i32 to index
    %swap3A_571 = arith.constant 112 : index
    %swap3A_572 = tpu.vector_load %arg8[%swap3A_570, %swap3A_571] {strides = array<i32>} : memref<8x128xi32, #tpu.memory_space<vmem>>, vector<16xi32>,
    tpu.vector_store %arg8[%swap3A_570, %swap3A_571], %add3A_568 {strides = array<i32>} : memref<8x128xi32, #tpu.memory_space<vmem>>, vector<16xi32>,
    %dma_start3A_573 = arith.constant 2 : i32
    %dma_start3A_574 = arith.constant 0 : i32
    %dma_start3A_575 = arith.constant 0 : i32
    %dma_start3A_576 = tpu.memref_slice %arg9[%dma_start3A_574, %dma_start3A_575] : memref<256x128xf32, #tpu.memory_space<vmem>> -> memref<128x128xf32, #tpu.memory_space<vmem>>
    %dma_start3A_577 = arith.constant 0 : i32
    %dma_start3A_578 = tpu.memref_slice %arg8[%dma_start3A_573, %dma_start3A_577] : memref<8x128xi32, #tpu.memory_space<vmem>> -> memref<1x128xi32, #tpu.memory_space<vmem>>
    %dma_start3A_579 = tpu.memref_squeeze %dma_start3A_578 : memref<1x128xi32, #tpu.memory_space<vmem>> -> memref<128xi32, #tpu.memory_space<vmem>>
    %dma_start3A_580 = arith.constant 0 : i32
    %dma_start3A_581 = arith.constant 0 : i32
    %dma_start3A_582 = tpu.memref_slice %arg2[%dma_start3A_580, %dma_start3A_581] : memref<460800x128xf32, #tpu.memory_space<hbm>> -> memref<460800x128xf32, #tpu.memory_space<hbm>>
    tpu.enqueue_indirect_dma source(%dma_start3A_582 : memref<460800x128xf32, #tpu.memory_space<hbm>>) target(%dma_start3A_576 : memref<128x128xf32, #tpu.memory_space<vmem>>) offsets(%dma_start3A_579 : memref<128xi32, #tpu.memory_space<vmem>>) semaphore(%arg11 : memref<!tpu.dma_semaphore, #tpu.memory_space<semaphore_mem>>)
    %dma_start3A_583 = arith.constant 3 : i32
    %dma_start3A_584 = arith.constant 128 : i32
    %dma_start3A_585 = arith.constant 0 : i32
    %dma_start3A_586 = tpu.memref_slice %arg9[%dma_start3A_584, %dma_start3A_585] : memref<256x128xf32, #tpu.memory_space<vmem>> -> memref<128x128xf32, #tpu.memory_space<vmem>>
    %dma_start3A_587 = arith.constant 0 : i32
    %dma_start3A_588 = tpu.memref_slice %arg8[%dma_start3A_583, %dma_start3A_587] : memref<8x128xi32, #tpu.memory_space<vmem>> -> memref<1x128xi32, #tpu.memory_space<vmem>>
    %dma_start3A_589 = tpu.memref_squeeze %dma_start3A_588 : memref<1x128xi32, #tpu.memory_space<vmem>> -> memref<128xi32, #tpu.memory_space<vmem>>
    %dma_start3A_590 = arith.constant 0 : i32
    %dma_start3A_591 = arith.constant 0 : i32
    %dma_start3A_592 = tpu.memref_slice %arg2[%dma_start3A_590, %dma_start3A_591] : memref<460800x128xf32, #tpu.memory_space<hbm>> -> memref<460800x128xf32, #tpu.memory_space<hbm>>
    tpu.enqueue_indirect_dma source(%dma_start3A_592 : memref<460800x128xf32, #tpu.memory_space<hbm>>) target(%dma_start3A_586 : memref<128x128xf32, #tpu.memory_space<vmem>>) offsets(%dma_start3A_589 : memref<128xi32, #tpu.memory_space<vmem>>) semaphore(%arg11 : memref<!tpu.dma_semaphore, #tpu.memory_space<semaphore_mem>>)
    %dma_wait3A_593 = arith.constant 2 : i32
    %dma_wait3A_594 = arith.constant 0 : i32
    %dma_wait3A_595 = arith.constant 0 : i32
    %dma_wait3A_596 = tpu.memref_slice %arg9[%dma_wait3A_594, %dma_wait3A_595] : memref<256x128xf32, #tpu.memory_space<vmem>> -> memref<128x128xf32, #tpu.memory_space<vmem>>
    %dma_wait3A_597 = arith.constant 0 : i32
    %dma_wait3A_598 = tpu.memref_slice %arg8[%dma_wait3A_593, %dma_wait3A_597] : memref<8x128xi32, #tpu.memory_space<vmem>> -> memref<1x128xi32, #tpu.memory_space<vmem>>
    %dma_wait3A_599 = tpu.memref_squeeze %dma_wait3A_598 : memref<1x128xi32, #tpu.memory_space<vmem>> -> memref<128xi32, #tpu.memory_space<vmem>>
    %dma_wait3A_600 = arith.constant 0 : i32
    %dma_wait3A_601 = arith.constant 0 : i32
    %dma_wait3A_602 = tpu.memref_slice %arg2[%dma_wait3A_600, %dma_wait3A_601] : memref<460800x128xf32, #tpu.memory_space<hbm>> -> memref<460800x128xf32, #tpu.memory_space<hbm>>
    tpu.wait_indirect_dma semaphore(%arg11 : memref<!tpu.dma_semaphore, #tpu.memory_space<semaphore_mem>>) src(%dma_wait3A_602 : memref<460800x128xf32, #tpu.memory_space<hbm>>) dst(%dma_wait3A_596 : memref<128x128xf32, #tpu.memory_space<vmem>>)
    %dma_wait3A_603 = arith.constant 3 : i32
    %dma_wait3A_604 = arith.constant 128 : i32
    %dma_wait3A_605 = arith.constant 0 : i32
    %dma_wait3A_606 = tpu.memref_slice %arg9[%dma_wait3A_604, %dma_wait3A_605] : memref<256x128xf32, #tpu.memory_space<vmem>> -> memref<128x128xf32, #tpu.memory_space<vmem>>
    %dma_wait3A_607 = arith.constant 0 : i32
    %dma_wait3A_608 = tpu.memref_slice %arg8[%dma_wait3A_603, %dma_wait3A_607] : memref<8x128xi32, #tpu.memory_space<vmem>> -> memref<1x128xi32, #tpu.memory_space<vmem>>
    %dma_wait3A_609 = tpu.memref_squeeze %dma_wait3A_608 : memref<1x128xi32, #tpu.memory_space<vmem>> -> memref<128xi32, #tpu.memory_space<vmem>>
    %dma_wait3A_610 = arith.constant 0 : i32
    %dma_wait3A_611 = arith.constant 0 : i32
    %dma_wait3A_612 = tpu.memref_slice %arg2[%dma_wait3A_610, %dma_wait3A_611] : memref<460800x128xf32, #tpu.memory_space<hbm>> -> memref<460800x128xf32, #tpu.memory_space<hbm>>
    tpu.wait_indirect_dma semaphore(%arg11 : memref<!tpu.dma_semaphore, #tpu.memory_space<semaphore_mem>>) src(%dma_wait3A_612 : memref<460800x128xf32, #tpu.memory_space<hbm>>) dst(%dma_wait3A_606 : memref<128x128xf32, #tpu.memory_space<vmem>>)
    %add3A_613 = arith.constant 0 : i32
    %add3A_614 = vector.broadcast %add3A_613 : i32 to vector<16xi32>
    %add3A_615 = arith.addi %add3A_614, %iota3A : vector<16xi32>
    %gather3A_616 = tpu.vector_load_idx %arg9[%add3A_615, %and3A_396] : memref<256x128xf32, #tpu.memory_space<vmem>>[vector<16xi32>, vector<16xi32>], vector<16xf32>,
    %mul3A_617 = arith.mulf %gather3A_616, %gather3A_362 : vector<16xf32>
    %swap3A_618 = arith.constant 256 : index
    %swap3A_619 = tpu.vector_load %arg10[%swap3A_618] {strides = array<i32>} : memref<1024xf32, #tpu.memory_space<vmem>>, vector<16xf32>,
    tpu.vector_store %arg10[%swap3A_618], %mul3A_617 {strides = array<i32>} : memref<1024xf32, #tpu.memory_space<vmem>>, vector<16xf32>,
    %add3A_620 = arith.constant 16 : i32
    %add3A_621 = vector.broadcast %add3A_620 : i32 to vector<16xi32>
    %add3A_622 = arith.addi %add3A_621, %iota3A : vector<16xi32>
    %gather3A_623 = tpu.vector_load_idx %arg9[%add3A_622, %and3A_396] : memref<256x128xf32, #tpu.memory_space<vmem>>[vector<16xi32>, vector<16xi32>], vector<16xf32>,
    %mul3A_624 = arith.mulf %gather3A_623, %gather3A_362 : vector<16xf32>
    %swap3A_625 = arith.constant 272 : index
    %swap3A_626 = tpu.vector_load %arg10[%swap3A_625] {strides = array<i32>} : memref<1024xf32, #tpu.memory_space<vmem>>, vector<16xf32>,
    tpu.vector_store %arg10[%swap3A_625], %mul3A_624 {strides = array<i32>} : memref<1024xf32, #tpu.memory_space<vmem>>, vector<16xf32>,
    %add3A_627 = arith.constant 32 : i32
    %add3A_628 = vector.broadcast %add3A_627 : i32 to vector<16xi32>
    %add3A_629 = arith.addi %add3A_628, %iota3A : vector<16xi32>
    %gather3A_630 = tpu.vector_load_idx %arg9[%add3A_629, %and3A_396] : memref<256x128xf32, #tpu.memory_space<vmem>>[vector<16xi32>, vector<16xi32>], vector<16xf32>,
    %mul3A_631 = arith.mulf %gather3A_630, %gather3A_362 : vector<16xf32>
    %swap3A_632 = arith.constant 288 : index
    %swap3A_633 = tpu.vector_load %arg10[%swap3A_632] {strides = array<i32>} : memref<1024xf32, #tpu.memory_space<vmem>>, vector<16xf32>,
    tpu.vector_store %arg10[%swap3A_632], %mul3A_631 {strides = array<i32>} : memref<1024xf32, #tpu.memory_space<vmem>>, vector<16xf32>,
    %add3A_634 = arith.constant 48 : i32
    %add3A_635 = vector.broadcast %add3A_634 : i32 to vector<16xi32>
    %add3A_636 = arith.addi %add3A_635, %iota3A : vector<16xi32>
    %gather3A_637 = tpu.vector_load_idx %arg9[%add3A_636, %and3A_396] : memref<256x128xf32, #tpu.memory_space<vmem>>[vector<16xi32>, vector<16xi32>], vector<16xf32>,
    %mul3A_638 = arith.mulf %gather3A_637, %gather3A_362 : vector<16xf32>
    %swap3A_639 = arith.constant 304 : index
    %swap3A_640 = tpu.vector_load %arg10[%swap3A_639] {strides = array<i32>} : memref<1024xf32, #tpu.memory_space<vmem>>, vector<16xf32>,
    tpu.vector_store %arg10[%swap3A_639], %mul3A_638 {strides = array<i32>} : memref<1024xf32, #tpu.memory_space<vmem>>, vector<16xf32>,
    %add3A_641 = arith.constant 64 : i32
    %add3A_642 = vector.broadcast %add3A_641 : i32 to vector<16xi32>
    %add3A_643 = arith.addi %add3A_642, %iota3A : vector<16xi32>
    %gather3A_644 = tpu.vector_load_idx %arg9[%add3A_643, %and3A_396] : memref<256x128xf32, #tpu.memory_space<vmem>>[vector<16xi32>, vector<16xi32>], vector<16xf32>,
    %mul3A_645 = arith.mulf %gather3A_644, %gather3A_362 : vector<16xf32>
    %swap3A_646 = arith.constant 320 : index
    %swap3A_647 = tpu.vector_load %arg10[%swap3A_646] {strides = array<i32>} : memref<1024xf32, #tpu.memory_space<vmem>>, vector<16xf32>,
    tpu.vector_store %arg10[%swap3A_646], %mul3A_645 {strides = array<i32>} : memref<1024xf32, #tpu.memory_space<vmem>>, vector<16xf32>,
    %add3A_648 = arith.constant 80 : i32
    %add3A_649 = vector.broadcast %add3A_648 : i32 to vector<16xi32>
    %add3A_650 = arith.addi %add3A_649, %iota3A : vector<16xi32>
    %gather3A_651 = tpu.vector_load_idx %arg9[%add3A_650, %and3A_396] : memref<256x128xf32, #tpu.memory_space<vmem>>[vector<16xi32>, vector<16xi32>], vector<16xf32>,
    %mul3A_652 = arith.mulf %gather3A_651, %gather3A_362 : vector<16xf32>
    %swap3A_653 = arith.constant 336 : index
    %swap3A_654 = tpu.vector_load %arg10[%swap3A_653] {strides = array<i32>} : memref<1024xf32, #tpu.memory_space<vmem>>, vector<16xf32>,
    tpu.vector_store %arg10[%swap3A_653], %mul3A_652 {strides = array<i32>} : memref<1024xf32, #tpu.memory_space<vmem>>, vector<16xf32>,
    %add3A_655 = arith.constant 96 : i32
    %add3A_656 = vector.broadcast %add3A_655 : i32 to vector<16xi32>
    %add3A_657 = arith.addi %add3A_656, %iota3A : vector<16xi32>
    %gather3A_658 = tpu.vector_load_idx %arg9[%add3A_657, %and3A_396] : memref<256x128xf32, #tpu.memory_space<vmem>>[vector<16xi32>, vector<16xi32>], vector<16xf32>,
    %mul3A_659 = arith.mulf %gather3A_658, %gather3A_362 : vector<16xf32>
    %swap3A_660 = arith.constant 352 : index
    %swap3A_661 = tpu.vector_load %arg10[%swap3A_660] {strides = array<i32>} : memref<1024xf32, #tpu.memory_space<vmem>>, vector<16xf32>,
    tpu.vector_store %arg10[%swap3A_660], %mul3A_659 {strides = array<i32>} : memref<1024xf32, #tpu.memory_space<vmem>>, vector<16xf32>,
    %add3A_662 = arith.constant 112 : i32
    %add3A_663 = vector.broadcast %add3A_662 : i32 to vector<16xi32>
    %add3A_664 = arith.addi %add3A_663, %iota3A : vector<16xi32>
    %gather3A_665 = tpu.vector_load_idx %arg9[%add3A_664, %and3A_396] : memref<256x128xf32, #tpu.memory_space<vmem>>[vector<16xi32>, vector<16xi32>], vector<16xf32>,
    %mul3A_666 = arith.mulf %gather3A_665, %gather3A_362 : vector<16xf32>
    %swap3A_667 = arith.constant 368 : index
    %swap3A_668 = tpu.vector_load %arg10[%swap3A_667] {strides = array<i32>} : memref<1024xf32, #tpu.memory_space<vmem>>, vector<16xf32>,
    tpu.vector_store %arg10[%swap3A_667], %mul3A_666 {strides = array<i32>} : memref<1024xf32, #tpu.memory_space<vmem>>, vector<16xf32>,
    %add3A_669 = arith.constant 128 : i32
    %add3A_670 = vector.broadcast %add3A_669 : i32 to vector<16xi32>
    %add3A_671 = arith.addi %add3A_670, %iota3A : vector<16xi32>
    %gather3A_672 = tpu.vector_load_idx %arg9[%add3A_671, %and3A_396] : memref<256x128xf32, #tpu.memory_space<vmem>>[vector<16xi32>, vector<16xi32>], vector<16xf32>,
    %mul3A_673 = arith.mulf %gather3A_672, %gather3A_362 : vector<16xf32>
    %swap3A_674 = arith.constant 384 : index
    %swap3A_675 = tpu.vector_load %arg10[%swap3A_674] {strides = array<i32>} : memref<1024xf32, #tpu.memory_space<vmem>>, vector<16xf32>,
    tpu.vector_store %arg10[%swap3A_674], %mul3A_673 {strides = array<i32>} : memref<1024xf32, #tpu.memory_space<vmem>>, vector<16xf32>,
    %add3A_676 = arith.constant 144 : i32
    %add3A_677 = vector.broadcast %add3A_676 : i32 to vector<16xi32>
    %add3A_678 = arith.addi %add3A_677, %iota3A : vector<16xi32>
    %gather3A_679 = tpu.vector_load_idx %arg9[%add3A_678, %and3A_396] : memref<256x128xf32, #tpu.memory_space<vmem>>[vector<16xi32>, vector<16xi32>], vector<16xf32>,
    %mul3A_680 = arith.mulf %gather3A_679, %gather3A_362 : vector<16xf32>
    %swap3A_681 = arith.constant 400 : index
    %swap3A_682 = tpu.vector_load %arg10[%swap3A_681] {strides = array<i32>} : memref<1024xf32, #tpu.memory_space<vmem>>, vector<16xf32>,
    tpu.vector_store %arg10[%swap3A_681], %mul3A_680 {strides = array<i32>} : memref<1024xf32, #tpu.memory_space<vmem>>, vector<16xf32>,
    %add3A_683 = arith.constant 160 : i32
    %add3A_684 = vector.broadcast %add3A_683 : i32 to vector<16xi32>
    %add3A_685 = arith.addi %add3A_684, %iota3A : vector<16xi32>
    %gather3A_686 = tpu.vector_load_idx %arg9[%add3A_685, %and3A_396] : memref<256x128xf32, #tpu.memory_space<vmem>>[vector<16xi32>, vector<16xi32>], vector<16xf32>,
    %mul3A_687 = arith.mulf %gather3A_686, %gather3A_362 : vector<16xf32>
    %swap3A_688 = arith.constant 416 : index
    %swap3A_689 = tpu.vector_load %arg10[%swap3A_688] {strides = array<i32>} : memref<1024xf32, #tpu.memory_space<vmem>>, vector<16xf32>,
    tpu.vector_store %arg10[%swap3A_688], %mul3A_687 {strides = array<i32>} : memref<1024xf32, #tpu.memory_space<vmem>>, vector<16xf32>,
    %add3A_690 = arith.constant 176 : i32
    %add3A_691 = vector.broadcast %add3A_690 : i32 to vector<16xi32>
    %add3A_692 = arith.addi %add3A_691, %iota3A : vector<16xi32>
    %gather3A_693 = tpu.vector_load_idx %arg9[%add3A_692, %and3A_396] : memref<256x128xf32, #tpu.memory_space<vmem>>[vector<16xi32>, vector<16xi32>], vector<16xf32>,
    %mul3A_694 = arith.mulf %gather3A_693, %gather3A_362 : vector<16xf32>
    %swap3A_695 = arith.constant 432 : index
    %swap3A_696 = tpu.vector_load %arg10[%swap3A_695] {strides = array<i32>} : memref<1024xf32, #tpu.memory_space<vmem>>, vector<16xf32>,
    tpu.vector_store %arg10[%swap3A_695], %mul3A_694 {strides = array<i32>} : memref<1024xf32, #tpu.memory_space<vmem>>, vector<16xf32>,
    %add3A_697 = arith.constant 192 : i32
    %add3A_698 = vector.broadcast %add3A_697 : i32 to vector<16xi32>
    %add3A_699 = arith.addi %add3A_698, %iota3A : vector<16xi32>
    %gather3A_700 = tpu.vector_load_idx %arg9[%add3A_699, %and3A_396] : memref<256x128xf32, #tpu.memory_space<vmem>>[vector<16xi32>, vector<16xi32>], vector<16xf32>,
    %mul3A_701 = arith.mulf %gather3A_700, %gather3A_362 : vector<16xf32>
    %swap3A_702 = arith.constant 448 : index
    %swap3A_703 = tpu.vector_load %arg10[%swap3A_702] {strides = array<i32>} : memref<1024xf32, #tpu.memory_space<vmem>>, vector<16xf32>,
    tpu.vector_store %arg10[%swap3A_702], %mul3A_701 {strides = array<i32>} : memref<1024xf32, #tpu.memory_space<vmem>>, vector<16xf32>,
    %add3A_704 = arith.constant 208 : i32
    %add3A_705 = vector.broadcast %add3A_704 : i32 to vector<16xi32>
    %add3A_706 = arith.addi %add3A_705, %iota3A : vector<16xi32>
    %gather3A_707 = tpu.vector_load_idx %arg9[%add3A_706, %and3A_396] : memref<256x128xf32, #tpu.memory_space<vmem>>[vector<16xi32>, vector<16xi32>], vector<16xf32>,
    %mul3A_708 = arith.mulf %gather3A_707, %gather3A_362 : vector<16xf32>
    %swap3A_709 = arith.constant 464 : index
    %swap3A_710 = tpu.vector_load %arg10[%swap3A_709] {strides = array<i32>} : memref<1024xf32, #tpu.memory_space<vmem>>, vector<16xf32>,
    tpu.vector_store %arg10[%swap3A_709], %mul3A_708 {strides = array<i32>} : memref<1024xf32, #tpu.memory_space<vmem>>, vector<16xf32>,
    %add3A_711 = arith.constant 224 : i32
    %add3A_712 = vector.broadcast %add3A_711 : i32 to vector<16xi32>
    %add3A_713 = arith.addi %add3A_712, %iota3A : vector<16xi32>
    %gather3A_714 = tpu.vector_load_idx %arg9[%add3A_713, %and3A_396] : memref<256x128xf32, #tpu.memory_space<vmem>>[vector<16xi32>, vector<16xi32>], vector<16xf32>,
    %mul3A_715 = arith.mulf %gather3A_714, %gather3A_362 : vector<16xf32>
    %swap3A_716 = arith.constant 480 : index
    %swap3A_717 = tpu.vector_load %arg10[%swap3A_716] {strides = array<i32>} : memref<1024xf32, #tpu.memory_space<vmem>>, vector<16xf32>,
    tpu.vector_store %arg10[%swap3A_716], %mul3A_715 {strides = array<i32>} : memref<1024xf32, #tpu.memory_space<vmem>>, vector<16xf32>,
    %add3A_718 = arith.constant 240 : i32
    %add3A_719 = vector.broadcast %add3A_718 : i32 to vector<16xi32>
    %add3A_720 = arith.addi %add3A_719, %iota3A : vector<16xi32>
    %gather3A_721 = tpu.vector_load_idx %arg9[%add3A_720, %and3A_396] : memref<256x128xf32, #tpu.memory_space<vmem>>[vector<16xi32>, vector<16xi32>], vector<16xf32>,
    %mul3A_722 = arith.mulf %gather3A_721, %gather3A_362 : vector<16xf32>
    %swap3A_723 = arith.constant 496 : index
    %swap3A_724 = tpu.vector_load %arg10[%swap3A_723] {strides = array<i32>} : memref<1024xf32, #tpu.memory_space<vmem>>, vector<16xf32>,
    tpu.vector_store %arg10[%swap3A_723], %mul3A_722 {strides = array<i32>} : memref<1024xf32, #tpu.memory_space<vmem>>, vector<16xf32>,
    %mul3A_725 = arith.constant 4 : i32
    %mul3A_726 = arith.muli %add3A, %mul3A_725 : i32
    %add3A_727 = arith.constant 2 : i32
    %add3A_728 = arith.addi %mul3A_726, %add3A_727 : i32
    %broadcast_in_dim3A_729 = vector.broadcast %add3A_728 : i32 to vector<16xi32>
    %gather3A_730 = tpu.vector_load_idx %arg6[%broadcast_in_dim3A_729] : memref<128xi32, #tpu.memory_space<vmem>>[vector<16xi32>], vector<16xi32>,
    %gather3A_731 = tpu.vector_load_idx %arg7[%broadcast_in_dim3A_729] : memref<128xf32, #tpu.memory_space<vmem>>[vector<16xi32>], vector<16xf32>,
    %jit3A_732 = arith.constant 32 : i32
    %div3A_733 = arith.divsi %add3A_728, %jit3A_732 : i32
    %sign3A_734 = arith.constant 0 : i32
    %sign3A_735 = arith.cmpi sgt, %add3A_728, %sign3A_734 : i32
    %sign3A_736 = arith.extui %sign3A_735 : i1 to i32
    %sign3A_737 = arith.constant 0 : i32
    %sign3A_738 = arith.cmpi slt, %add3A_728, %sign3A_737 : i32
    %sign3A_739 = arith.extui %sign3A_738 : i1 to i32
    %sign3A_740 = arith.subi %sign3A_736, %sign3A_739 : i32
    %sign3A_741 = arith.constant 0 : i32
    %sign3A_742 = arith.cmpi sgt, %jit3A_732, %sign3A_741 : i32
    %sign3A_743 = arith.extui %sign3A_742 : i1 to i32
    %sign3A_744 = arith.constant 0 : i32
    %sign3A_745 = arith.cmpi slt, %jit3A_732, %sign3A_744 : i32
    %sign3A_746 = arith.extui %sign3A_745 : i1 to i32
    %sign3A_747 = arith.subi %sign3A_743, %sign3A_746 : i32
    %ne3A_748 = arith.cmpi ne, %sign3A_740, %sign3A_747 : i32
    %rem3A_749 = arith.remsi %add3A_728, %jit3A_732 : i32
    %ne3A_750 = arith.constant 0 : i32
    %ne3A_751 = arith.cmpi ne, %rem3A_749, %ne3A_750 : i32
    %and3A_752 = arith.andi %ne3A_748, %ne3A_751 : i1
    %sub3A_753 = arith.constant 1 : i32
    %sub3A_754 = arith.subi %div3A_733, %sub3A_753 : i32
    %select_n3A_755 = arith.select %and3A_752, %sub3A_754, %div3A_733 : i32
    %mul3A_756 = arith.constant 115200 : i32
    %mul3A_757 = arith.muli %select_n3A_755, %mul3A_756 : i32
    %shift_right_arithmetic3A_758 = arith.constant 7 : i32
    %shift_right_arithmetic3A_759 = vector.broadcast %shift_right_arithmetic3A_758 : i32 to vector<16xi32>
    %shift_right_arithmetic3A_760 = arith.shrsi %gather3A_730, %shift_right_arithmetic3A_759 : vector<16xi32>
    %add3A_761 = vector.broadcast %mul3A_757 : i32 to vector<16xi32>
    %add3A_762 = arith.addi %add3A_761, %shift_right_arithmetic3A_760 : vector<16xi32>
    %and3A_763 = arith.constant 127 : i32
    %and3A_764 = vector.broadcast %and3A_763 : i32 to vector<16xi32>
    %and3A_765 = arith.andi %gather3A_730, %and3A_764 : vector<16xi32>
    %add3A_766 = arith.constant 0 : i32
    %add3A_767 = vector.broadcast %add3A_766 : i32 to vector<16xi32>
    %add3A_768 = arith.addi %add3A_767, %iota3A : vector<16xi32>
    %mul3A_769 = arith.constant 450 : i32
    %mul3A_770 = vector.broadcast %mul3A_769 : i32 to vector<16xi32>
    %mul3A_771 = arith.muli %add3A_768, %mul3A_770 : vector<16xi32>
    %add3A_772 = arith.addi %add3A_762, %mul3A_771 : vector<16xi32>
    %swap3A_773 = arith.constant 4 : i32
    %swap3A_774 = arith.index_cast %swap3A_773 : i32 to index
    %swap3A_775 = arith.constant 0 : index
    %swap3A_776 = tpu.vector_load %arg8[%swap3A_774, %swap3A_775] {strides = array<i32>} : memref<8x128xi32, #tpu.memory_space<vmem>>, vector<16xi32>,
    tpu.vector_store %arg8[%swap3A_774, %swap3A_775], %add3A_772 {strides = array<i32>} : memref<8x128xi32, #tpu.memory_space<vmem>>, vector<16xi32>,
    %add3A_777 = arith.constant 16 : i32
    %add3A_778 = vector.broadcast %add3A_777 : i32 to vector<16xi32>
    %add3A_779 = arith.addi %add3A_778, %iota3A : vector<16xi32>
    %mul3A_780 = arith.constant 450 : i32
    %mul3A_781 = vector.broadcast %mul3A_780 : i32 to vector<16xi32>
    %mul3A_782 = arith.muli %add3A_779, %mul3A_781 : vector<16xi32>
    %add3A_783 = arith.addi %add3A_762, %mul3A_782 : vector<16xi32>
    %swap3A_784 = arith.constant 4 : i32
    %swap3A_785 = arith.index_cast %swap3A_784 : i32 to index
    %swap3A_786 = arith.constant 16 : index
    %swap3A_787 = tpu.vector_load %arg8[%swap3A_785, %swap3A_786] {strides = array<i32>} : memref<8x128xi32, #tpu.memory_space<vmem>>, vector<16xi32>,
    tpu.vector_store %arg8[%swap3A_785, %swap3A_786], %add3A_783 {strides = array<i32>} : memref<8x128xi32, #tpu.memory_space<vmem>>, vector<16xi32>,
    %add3A_788 = arith.constant 32 : i32
    %add3A_789 = vector.broadcast %add3A_788 : i32 to vector<16xi32>
    %add3A_790 = arith.addi %add3A_789, %iota3A : vector<16xi32>
    %mul3A_791 = arith.constant 450 : i32
    %mul3A_792 = vector.broadcast %mul3A_791 : i32 to vector<16xi32>
    %mul3A_793 = arith.muli %add3A_790, %mul3A_792 : vector<16xi32>
    %add3A_794 = arith.addi %add3A_762, %mul3A_793 : vector<16xi32>
    %swap3A_795 = arith.constant 4 : i32
    %swap3A_796 = arith.index_cast %swap3A_795 : i32 to index
    %swap3A_797 = arith.constant 32 : index
    %swap3A_798 = tpu.vector_load %arg8[%swap3A_796, %swap3A_797] {strides = array<i32>} : memref<8x128xi32, #tpu.memory_space<vmem>>, vector<16xi32>,
    tpu.vector_store %arg8[%swap3A_796, %swap3A_797], %add3A_794 {strides = array<i32>} : memref<8x128xi32, #tpu.memory_space<vmem>>, vector<16xi32>,
    %add3A_799 = arith.constant 48 : i32
    %add3A_800 = vector.broadcast %add3A_799 : i32 to vector<16xi32>
    %add3A_801 = arith.addi %add3A_800, %iota3A : vector<16xi32>
    %mul3A_802 = arith.constant 450 : i32
    %mul3A_803 = vector.broadcast %mul3A_802 : i32 to vector<16xi32>
    %mul3A_804 = arith.muli %add3A_801, %mul3A_803 : vector<16xi32>
    %add3A_805 = arith.addi %add3A_762, %mul3A_804 : vector<16xi32>
    %swap3A_806 = arith.constant 4 : i32
    %swap3A_807 = arith.index_cast %swap3A_806 : i32 to index
    %swap3A_808 = arith.constant 48 : index
    %swap3A_809 = tpu.vector_load %arg8[%swap3A_807, %swap3A_808] {strides = array<i32>} : memref<8x128xi32, #tpu.memory_space<vmem>>, vector<16xi32>,
    tpu.vector_store %arg8[%swap3A_807, %swap3A_808], %add3A_805 {strides = array<i32>} : memref<8x128xi32, #tpu.memory_space<vmem>>, vector<16xi32>,
    %add3A_810 = arith.constant 64 : i32
    %add3A_811 = vector.broadcast %add3A_810 : i32 to vector<16xi32>
    %add3A_812 = arith.addi %add3A_811, %iota3A : vector<16xi32>
    %mul3A_813 = arith.constant 450 : i32
    %mul3A_814 = vector.broadcast %mul3A_813 : i32 to vector<16xi32>
    %mul3A_815 = arith.muli %add3A_812, %mul3A_814 : vector<16xi32>
    %add3A_816 = arith.addi %add3A_762, %mul3A_815 : vector<16xi32>
    %swap3A_817 = arith.constant 4 : i32
    %swap3A_818 = arith.index_cast %swap3A_817 : i32 to index
    %swap3A_819 = arith.constant 64 : index
    %swap3A_820 = tpu.vector_load %arg8[%swap3A_818, %swap3A_819] {strides = array<i32>} : memref<8x128xi32, #tpu.memory_space<vmem>>, vector<16xi32>,
    tpu.vector_store %arg8[%swap3A_818, %swap3A_819], %add3A_816 {strides = array<i32>} : memref<8x128xi32, #tpu.memory_space<vmem>>, vector<16xi32>,
    %add3A_821 = arith.constant 80 : i32
    %add3A_822 = vector.broadcast %add3A_821 : i32 to vector<16xi32>
    %add3A_823 = arith.addi %add3A_822, %iota3A : vector<16xi32>
    %mul3A_824 = arith.constant 450 : i32
    %mul3A_825 = vector.broadcast %mul3A_824 : i32 to vector<16xi32>
    %mul3A_826 = arith.muli %add3A_823, %mul3A_825 : vector<16xi32>
    %add3A_827 = arith.addi %add3A_762, %mul3A_826 : vector<16xi32>
    %swap3A_828 = arith.constant 4 : i32
    %swap3A_829 = arith.index_cast %swap3A_828 : i32 to index
    %swap3A_830 = arith.constant 80 : index
    %swap3A_831 = tpu.vector_load %arg8[%swap3A_829, %swap3A_830] {strides = array<i32>} : memref<8x128xi32, #tpu.memory_space<vmem>>, vector<16xi32>,
    tpu.vector_store %arg8[%swap3A_829, %swap3A_830], %add3A_827 {strides = array<i32>} : memref<8x128xi32, #tpu.memory_space<vmem>>, vector<16xi32>,
    %add3A_832 = arith.constant 96 : i32
    %add3A_833 = vector.broadcast %add3A_832 : i32 to vector<16xi32>
    %add3A_834 = arith.addi %add3A_833, %iota3A : vector<16xi32>
    %mul3A_835 = arith.constant 450 : i32
    %mul3A_836 = vector.broadcast %mul3A_835 : i32 to vector<16xi32>
    %mul3A_837 = arith.muli %add3A_834, %mul3A_836 : vector<16xi32>
    %add3A_838 = arith.addi %add3A_762, %mul3A_837 : vector<16xi32>
    %swap3A_839 = arith.constant 4 : i32
    %swap3A_840 = arith.index_cast %swap3A_839 : i32 to index
    %swap3A_841 = arith.constant 96 : index
    %swap3A_842 = tpu.vector_load %arg8[%swap3A_840, %swap3A_841] {strides = array<i32>} : memref<8x128xi32, #tpu.memory_space<vmem>>, vector<16xi32>,
    tpu.vector_store %arg8[%swap3A_840, %swap3A_841], %add3A_838 {strides = array<i32>} : memref<8x128xi32, #tpu.memory_space<vmem>>, vector<16xi32>,
    %add3A_843 = arith.constant 112 : i32
    %add3A_844 = vector.broadcast %add3A_843 : i32 to vector<16xi32>
    %add3A_845 = arith.addi %add3A_844, %iota3A : vector<16xi32>
    %mul3A_846 = arith.constant 450 : i32
    %mul3A_847 = vector.broadcast %mul3A_846 : i32 to vector<16xi32>
    %mul3A_848 = arith.muli %add3A_845, %mul3A_847 : vector<16xi32>
    %add3A_849 = arith.addi %add3A_762, %mul3A_848 : vector<16xi32>
    %swap3A_850 = arith.constant 4 : i32
    %swap3A_851 = arith.index_cast %swap3A_850 : i32 to index
    %swap3A_852 = arith.constant 112 : index
    %swap3A_853 = tpu.vector_load %arg8[%swap3A_851, %swap3A_852] {strides = array<i32>} : memref<8x128xi32, #tpu.memory_space<vmem>>, vector<16xi32>,
    tpu.vector_store %arg8[%swap3A_851, %swap3A_852], %add3A_849 {strides = array<i32>} : memref<8x128xi32, #tpu.memory_space<vmem>>, vector<16xi32>,
    %add3A_854 = arith.constant 128 : i32
    %add3A_855 = vector.broadcast %add3A_854 : i32 to vector<16xi32>
    %add3A_856 = arith.addi %add3A_855, %iota3A : vector<16xi32>
    %mul3A_857 = arith.constant 450 : i32
    %mul3A_858 = vector.broadcast %mul3A_857 : i32 to vector<16xi32>
    %mul3A_859 = arith.muli %add3A_856, %mul3A_858 : vector<16xi32>
    %add3A_860 = arith.addi %add3A_762, %mul3A_859 : vector<16xi32>
    %swap3A_861 = arith.constant 5 : i32
    %swap3A_862 = arith.index_cast %swap3A_861 : i32 to index
    %swap3A_863 = arith.constant 0 : index
    %swap3A_864 = tpu.vector_load %arg8[%swap3A_862, %swap3A_863] {strides = array<i32>} : memref<8x128xi32, #tpu.memory_space<vmem>>, vector<16xi32>,
    tpu.vector_store %arg8[%swap3A_862, %swap3A_863], %add3A_860 {strides = array<i32>} : memref<8x128xi32, #tpu.memory_space<vmem>>, vector<16xi32>,
    %add3A_865 = arith.constant 144 : i32
    %add3A_866 = vector.broadcast %add3A_865 : i32 to vector<16xi32>
    %add3A_867 = arith.addi %add3A_866, %iota3A : vector<16xi32>
    %mul3A_868 = arith.constant 450 : i32
    %mul3A_869 = vector.broadcast %mul3A_868 : i32 to vector<16xi32>
    %mul3A_870 = arith.muli %add3A_867, %mul3A_869 : vector<16xi32>
    %add3A_871 = arith.addi %add3A_762, %mul3A_870 : vector<16xi32>
    %swap3A_872 = arith.constant 5 : i32
    %swap3A_873 = arith.index_cast %swap3A_872 : i32 to index
    %swap3A_874 = arith.constant 16 : index
    %swap3A_875 = tpu.vector_load %arg8[%swap3A_873, %swap3A_874] {strides = array<i32>} : memref<8x128xi32, #tpu.memory_space<vmem>>, vector<16xi32>,
    tpu.vector_store %arg8[%swap3A_873, %swap3A_874], %add3A_871 {strides = array<i32>} : memref<8x128xi32, #tpu.memory_space<vmem>>, vector<16xi32>,
    %add3A_876 = arith.constant 160 : i32
    %add3A_877 = vector.broadcast %add3A_876 : i32 to vector<16xi32>
    %add3A_878 = arith.addi %add3A_877, %iota3A : vector<16xi32>
    %mul3A_879 = arith.constant 450 : i32
    %mul3A_880 = vector.broadcast %mul3A_879 : i32 to vector<16xi32>
    %mul3A_881 = arith.muli %add3A_878, %mul3A_880 : vector<16xi32>
    %add3A_882 = arith.addi %add3A_762, %mul3A_881 : vector<16xi32>
    %swap3A_883 = arith.constant 5 : i32
    %swap3A_884 = arith.index_cast %swap3A_883 : i32 to index
    %swap3A_885 = arith.constant 32 : index
    %swap3A_886 = tpu.vector_load %arg8[%swap3A_884, %swap3A_885] {strides = array<i32>} : memref<8x128xi32, #tpu.memory_space<vmem>>, vector<16xi32>,
    tpu.vector_store %arg8[%swap3A_884, %swap3A_885], %add3A_882 {strides = array<i32>} : memref<8x128xi32, #tpu.memory_space<vmem>>, vector<16xi32>,
    %add3A_887 = arith.constant 176 : i32
    %add3A_888 = vector.broadcast %add3A_887 : i32 to vector<16xi32>
    %add3A_889 = arith.addi %add3A_888, %iota3A : vector<16xi32>
    %mul3A_890 = arith.constant 450 : i32
    %mul3A_891 = vector.broadcast %mul3A_890 : i32 to vector<16xi32>
    %mul3A_892 = arith.muli %add3A_889, %mul3A_891 : vector<16xi32>
    %add3A_893 = arith.addi %add3A_762, %mul3A_892 : vector<16xi32>
    %swap3A_894 = arith.constant 5 : i32
    %swap3A_895 = arith.index_cast %swap3A_894 : i32 to index
    %swap3A_896 = arith.constant 48 : index
    %swap3A_897 = tpu.vector_load %arg8[%swap3A_895, %swap3A_896] {strides = array<i32>} : memref<8x128xi32, #tpu.memory_space<vmem>>, vector<16xi32>,
    tpu.vector_store %arg8[%swap3A_895, %swap3A_896], %add3A_893 {strides = array<i32>} : memref<8x128xi32, #tpu.memory_space<vmem>>, vector<16xi32>,
    %add3A_898 = arith.constant 192 : i32
    %add3A_899 = vector.broadcast %add3A_898 : i32 to vector<16xi32>
    %add3A_900 = arith.addi %add3A_899, %iota3A : vector<16xi32>
    %mul3A_901 = arith.constant 450 : i32
    %mul3A_902 = vector.broadcast %mul3A_901 : i32 to vector<16xi32>
    %mul3A_903 = arith.muli %add3A_900, %mul3A_902 : vector<16xi32>
    %add3A_904 = arith.addi %add3A_762, %mul3A_903 : vector<16xi32>
    %swap3A_905 = arith.constant 5 : i32
    %swap3A_906 = arith.index_cast %swap3A_905 : i32 to index
    %swap3A_907 = arith.constant 64 : index
    %swap3A_908 = tpu.vector_load %arg8[%swap3A_906, %swap3A_907] {strides = array<i32>} : memref<8x128xi32, #tpu.memory_space<vmem>>, vector<16xi32>,
    tpu.vector_store %arg8[%swap3A_906, %swap3A_907], %add3A_904 {strides = array<i32>} : memref<8x128xi32, #tpu.memory_space<vmem>>, vector<16xi32>,
    %add3A_909 = arith.constant 208 : i32
    %add3A_910 = vector.broadcast %add3A_909 : i32 to vector<16xi32>
    %add3A_911 = arith.addi %add3A_910, %iota3A : vector<16xi32>
    %mul3A_912 = arith.constant 450 : i32
    %mul3A_913 = vector.broadcast %mul3A_912 : i32 to vector<16xi32>
    %mul3A_914 = arith.muli %add3A_911, %mul3A_913 : vector<16xi32>
    %add3A_915 = arith.addi %add3A_762, %mul3A_914 : vector<16xi32>
    %swap3A_916 = arith.constant 5 : i32
    %swap3A_917 = arith.index_cast %swap3A_916 : i32 to index
    %swap3A_918 = arith.constant 80 : index
    %swap3A_919 = tpu.vector_load %arg8[%swap3A_917, %swap3A_918] {strides = array<i32>} : memref<8x128xi32, #tpu.memory_space<vmem>>, vector<16xi32>,
    tpu.vector_store %arg8[%swap3A_917, %swap3A_918], %add3A_915 {strides = array<i32>} : memref<8x128xi32, #tpu.memory_space<vmem>>, vector<16xi32>,
    %add3A_920 = arith.constant 224 : i32
    %add3A_921 = vector.broadcast %add3A_920 : i32 to vector<16xi32>
    %add3A_922 = arith.addi %add3A_921, %iota3A : vector<16xi32>
    %mul3A_923 = arith.constant 450 : i32
    %mul3A_924 = vector.broadcast %mul3A_923 : i32 to vector<16xi32>
    %mul3A_925 = arith.muli %add3A_922, %mul3A_924 : vector<16xi32>
    %add3A_926 = arith.addi %add3A_762, %mul3A_925 : vector<16xi32>
    %swap3A_927 = arith.constant 5 : i32
    %swap3A_928 = arith.index_cast %swap3A_927 : i32 to index
    %swap3A_929 = arith.constant 96 : index
    %swap3A_930 = tpu.vector_load %arg8[%swap3A_928, %swap3A_929] {strides = array<i32>} : memref<8x128xi32, #tpu.memory_space<vmem>>, vector<16xi32>,
    tpu.vector_store %arg8[%swap3A_928, %swap3A_929], %add3A_926 {strides = array<i32>} : memref<8x128xi32, #tpu.memory_space<vmem>>, vector<16xi32>,
    %add3A_931 = arith.constant 240 : i32
    %add3A_932 = vector.broadcast %add3A_931 : i32 to vector<16xi32>
    %add3A_933 = arith.addi %add3A_932, %iota3A : vector<16xi32>
    %mul3A_934 = arith.constant 450 : i32
    %mul3A_935 = vector.broadcast %mul3A_934 : i32 to vector<16xi32>
    %mul3A_936 = arith.muli %add3A_933, %mul3A_935 : vector<16xi32>
    %add3A_937 = arith.addi %add3A_762, %mul3A_936 : vector<16xi32>
    %swap3A_938 = arith.constant 5 : i32
    %swap3A_939 = arith.index_cast %swap3A_938 : i32 to index
    %swap3A_940 = arith.constant 112 : index
    %swap3A_941 = tpu.vector_load %arg8[%swap3A_939, %swap3A_940] {strides = array<i32>} : memref<8x128xi32, #tpu.memory_space<vmem>>, vector<16xi32>,
    tpu.vector_store %arg8[%swap3A_939, %swap3A_940], %add3A_937 {strides = array<i32>} : memref<8x128xi32, #tpu.memory_space<vmem>>, vector<16xi32>,
    %dma_start3A_942 = arith.constant 4 : i32
    %dma_start3A_943 = arith.constant 0 : i32
    %dma_start3A_944 = arith.constant 0 : i32
    %dma_start3A_945 = tpu.memref_slice %arg9[%dma_start3A_943, %dma_start3A_944] : memref<256x128xf32, #tpu.memory_space<vmem>> -> memref<128x128xf32, #tpu.memory_space<vmem>>
    %dma_start3A_946 = arith.constant 0 : i32
    %dma_start3A_947 = tpu.memref_slice %arg8[%dma_start3A_942, %dma_start3A_946] : memref<8x128xi32, #tpu.memory_space<vmem>> -> memref<1x128xi32, #tpu.memory_space<vmem>>
    %dma_start3A_948 = tpu.memref_squeeze %dma_start3A_947 : memref<1x128xi32, #tpu.memory_space<vmem>> -> memref<128xi32, #tpu.memory_space<vmem>>
    %dma_start3A_949 = arith.constant 0 : i32
    %dma_start3A_950 = arith.constant 0 : i32
    %dma_start3A_951 = tpu.memref_slice %arg2[%dma_start3A_949, %dma_start3A_950] : memref<460800x128xf32, #tpu.memory_space<hbm>> -> memref<460800x128xf32, #tpu.memory_space<hbm>>
    tpu.enqueue_indirect_dma source(%dma_start3A_951 : memref<460800x128xf32, #tpu.memory_space<hbm>>) target(%dma_start3A_945 : memref<128x128xf32, #tpu.memory_space<vmem>>) offsets(%dma_start3A_948 : memref<128xi32, #tpu.memory_space<vmem>>) semaphore(%arg11 : memref<!tpu.dma_semaphore, #tpu.memory_space<semaphore_mem>>)
    %dma_start3A_952 = arith.constant 5 : i32
    %dma_start3A_953 = arith.constant 128 : i32
    %dma_start3A_954 = arith.constant 0 : i32
    %dma_start3A_955 = tpu.memref_slice %arg9[%dma_start3A_953, %dma_start3A_954] : memref<256x128xf32, #tpu.memory_space<vmem>> -> memref<128x128xf32, #tpu.memory_space<vmem>>
    %dma_start3A_956 = arith.constant 0 : i32
    %dma_start3A_957 = tpu.memref_slice %arg8[%dma_start3A_952, %dma_start3A_956] : memref<8x128xi32, #tpu.memory_space<vmem>> -> memref<1x128xi32, #tpu.memory_space<vmem>>
    %dma_start3A_958 = tpu.memref_squeeze %dma_start3A_957 : memref<1x128xi32, #tpu.memory_space<vmem>> -> memref<128xi32, #tpu.memory_space<vmem>>
    %dma_start3A_959 = arith.constant 0 : i32
    %dma_start3A_960 = arith.constant 0 : i32
    %dma_start3A_961 = tpu.memref_slice %arg2[%dma_start3A_959, %dma_start3A_960] : memref<460800x128xf32, #tpu.memory_space<hbm>> -> memref<460800x128xf32, #tpu.memory_space<hbm>>
    tpu.enqueue_indirect_dma source(%dma_start3A_961 : memref<460800x128xf32, #tpu.memory_space<hbm>>) target(%dma_start3A_955 : memref<128x128xf32, #tpu.memory_space<vmem>>) offsets(%dma_start3A_958 : memref<128xi32, #tpu.memory_space<vmem>>) semaphore(%arg11 : memref<!tpu.dma_semaphore, #tpu.memory_space<semaphore_mem>>)
    %dma_wait3A_962 = arith.constant 4 : i32
    %dma_wait3A_963 = arith.constant 0 : i32
    %dma_wait3A_964 = arith.constant 0 : i32
    %dma_wait3A_965 = tpu.memref_slice %arg9[%dma_wait3A_963, %dma_wait3A_964] : memref<256x128xf32, #tpu.memory_space<vmem>> -> memref<128x128xf32, #tpu.memory_space<vmem>>
    %dma_wait3A_966 = arith.constant 0 : i32
    %dma_wait3A_967 = tpu.memref_slice %arg8[%dma_wait3A_962, %dma_wait3A_966] : memref<8x128xi32, #tpu.memory_space<vmem>> -> memref<1x128xi32, #tpu.memory_space<vmem>>
    %dma_wait3A_968 = tpu.memref_squeeze %dma_wait3A_967 : memref<1x128xi32, #tpu.memory_space<vmem>> -> memref<128xi32, #tpu.memory_space<vmem>>
    %dma_wait3A_969 = arith.constant 0 : i32
    %dma_wait3A_970 = arith.constant 0 : i32
    %dma_wait3A_971 = tpu.memref_slice %arg2[%dma_wait3A_969, %dma_wait3A_970] : memref<460800x128xf32, #tpu.memory_space<hbm>> -> memref<460800x128xf32, #tpu.memory_space<hbm>>
    tpu.wait_indirect_dma semaphore(%arg11 : memref<!tpu.dma_semaphore, #tpu.memory_space<semaphore_mem>>) src(%dma_wait3A_971 : memref<460800x128xf32, #tpu.memory_space<hbm>>) dst(%dma_wait3A_965 : memref<128x128xf32, #tpu.memory_space<vmem>>)
    %dma_wait3A_972 = arith.constant 5 : i32
    %dma_wait3A_973 = arith.constant 128 : i32
    %dma_wait3A_974 = arith.constant 0 : i32
    %dma_wait3A_975 = tpu.memref_slice %arg9[%dma_wait3A_973, %dma_wait3A_974] : memref<256x128xf32, #tpu.memory_space<vmem>> -> memref<128x128xf32, #tpu.memory_space<vmem>>
    %dma_wait3A_976 = arith.constant 0 : i32
    %dma_wait3A_977 = tpu.memref_slice %arg8[%dma_wait3A_972, %dma_wait3A_976] : memref<8x128xi32, #tpu.memory_space<vmem>> -> memref<1x128xi32, #tpu.memory_space<vmem>>
    %dma_wait3A_978 = tpu.memref_squeeze %dma_wait3A_977 : memref<1x128xi32, #tpu.memory_space<vmem>> -> memref<128xi32, #tpu.memory_space<vmem>>
    %dma_wait3A_979 = arith.constant 0 : i32
    %dma_wait3A_980 = arith.constant 0 : i32
    %dma_wait3A_981 = tpu.memref_slice %arg2[%dma_wait3A_979, %dma_wait3A_980] : memref<460800x128xf32, #tpu.memory_space<hbm>> -> memref<460800x128xf32, #tpu.memory_space<hbm>>
    tpu.wait_indirect_dma semaphore(%arg11 : memref<!tpu.dma_semaphore, #tpu.memory_space<semaphore_mem>>) src(%dma_wait3A_981 : memref<460800x128xf32, #tpu.memory_space<hbm>>) dst(%dma_wait3A_975 : memref<128x128xf32, #tpu.memory_space<vmem>>)
    %add3A_982 = arith.constant 0 : i32
    %add3A_983 = vector.broadcast %add3A_982 : i32 to vector<16xi32>
    %add3A_984 = arith.addi %add3A_983, %iota3A : vector<16xi32>
    %gather3A_985 = tpu.vector_load_idx %arg9[%add3A_984, %and3A_765] : memref<256x128xf32, #tpu.memory_space<vmem>>[vector<16xi32>, vector<16xi32>], vector<16xf32>,
    %mul3A_986 = arith.mulf %gather3A_985, %gather3A_731 : vector<16xf32>
    %swap3A_987 = arith.constant 512 : index
    %swap3A_988 = tpu.vector_load %arg10[%swap3A_987] {strides = array<i32>} : memref<1024xf32, #tpu.memory_space<vmem>>, vector<16xf32>,
    tpu.vector_store %arg10[%swap3A_987], %mul3A_986 {strides = array<i32>} : memref<1024xf32, #tpu.memory_space<vmem>>, vector<16xf32>,
    %add3A_989 = arith.constant 16 : i32
    %add3A_990 = vector.broadcast %add3A_989 : i32 to vector<16xi32>
    %add3A_991 = arith.addi %add3A_990, %iota3A : vector<16xi32>
    %gather3A_992 = tpu.vector_load_idx %arg9[%add3A_991, %and3A_765] : memref<256x128xf32, #tpu.memory_space<vmem>>[vector<16xi32>, vector<16xi32>], vector<16xf32>,
    %mul3A_993 = arith.mulf %gather3A_992, %gather3A_731 : vector<16xf32>
    %swap3A_994 = arith.constant 528 : index
    %swap3A_995 = tpu.vector_load %arg10[%swap3A_994] {strides = array<i32>} : memref<1024xf32, #tpu.memory_space<vmem>>, vector<16xf32>,
    tpu.vector_store %arg10[%swap3A_994], %mul3A_993 {strides = array<i32>} : memref<1024xf32, #tpu.memory_space<vmem>>, vector<16xf32>,
    %add3A_996 = arith.constant 32 : i32
    %add3A_997 = vector.broadcast %add3A_996 : i32 to vector<16xi32>
    %add3A_998 = arith.addi %add3A_997, %iota3A : vector<16xi32>
    %gather3A_999 = tpu.vector_load_idx %arg9[%add3A_998, %and3A_765] : memref<256x128xf32, #tpu.memory_space<vmem>>[vector<16xi32>, vector<16xi32>], vector<16xf32>,
    %mul3A_1000 = arith.mulf %gather3A_999, %gather3A_731 : vector<16xf32>
    %swap3A_1001 = arith.constant 544 : index
    %swap3A_1002 = tpu.vector_load %arg10[%swap3A_1001] {strides = array<i32>} : memref<1024xf32, #tpu.memory_space<vmem>>, vector<16xf32>,
    tpu.vector_store %arg10[%swap3A_1001], %mul3A_1000 {strides = array<i32>} : memref<1024xf32, #tpu.memory_space<vmem>>, vector<16xf32>,
    %add3A_1003 = arith.constant 48 : i32
    %add3A_1004 = vector.broadcast %add3A_1003 : i32 to vector<16xi32>
    %add3A_1005 = arith.addi %add3A_1004, %iota3A : vector<16xi32>
    %gather3A_1006 = tpu.vector_load_idx %arg9[%add3A_1005, %and3A_765] : memref<256x128xf32, #tpu.memory_space<vmem>>[vector<16xi32>, vector<16xi32>], vector<16xf32>,
    %mul3A_1007 = arith.mulf %gather3A_1006, %gather3A_731 : vector<16xf32>
    %swap3A_1008 = arith.constant 560 : index
    %swap3A_1009 = tpu.vector_load %arg10[%swap3A_1008] {strides = array<i32>} : memref<1024xf32, #tpu.memory_space<vmem>>, vector<16xf32>,
    tpu.vector_store %arg10[%swap3A_1008], %mul3A_1007 {strides = array<i32>} : memref<1024xf32, #tpu.memory_space<vmem>>, vector<16xf32>,
    %add3A_1010 = arith.constant 64 : i32
    %add3A_1011 = vector.broadcast %add3A_1010 : i32 to vector<16xi32>
    %add3A_1012 = arith.addi %add3A_1011, %iota3A : vector<16xi32>
    %gather3A_1013 = tpu.vector_load_idx %arg9[%add3A_1012, %and3A_765] : memref<256x128xf32, #tpu.memory_space<vmem>>[vector<16xi32>, vector<16xi32>], vector<16xf32>,
    %mul3A_1014 = arith.mulf %gather3A_1013, %gather3A_731 : vector<16xf32>
    %swap3A_1015 = arith.constant 576 : index
    %swap3A_1016 = tpu.vector_load %arg10[%swap3A_1015] {strides = array<i32>} : memref<1024xf32, #tpu.memory_space<vmem>>, vector<16xf32>,
    tpu.vector_store %arg10[%swap3A_1015], %mul3A_1014 {strides = array<i32>} : memref<1024xf32, #tpu.memory_space<vmem>>, vector<16xf32>,
    %add3A_1017 = arith.constant 80 : i32
    %add3A_1018 = vector.broadcast %add3A_1017 : i32 to vector<16xi32>
    %add3A_1019 = arith.addi %add3A_1018, %iota3A : vector<16xi32>
    %gather3A_1020 = tpu.vector_load_idx %arg9[%add3A_1019, %and3A_765] : memref<256x128xf32, #tpu.memory_space<vmem>>[vector<16xi32>, vector<16xi32>], vector<16xf32>,
    %mul3A_1021 = arith.mulf %gather3A_1020, %gather3A_731 : vector<16xf32>
    %swap3A_1022 = arith.constant 592 : index
    %swap3A_1023 = tpu.vector_load %arg10[%swap3A_1022] {strides = array<i32>} : memref<1024xf32, #tpu.memory_space<vmem>>, vector<16xf32>,
    tpu.vector_store %arg10[%swap3A_1022], %mul3A_1021 {strides = array<i32>} : memref<1024xf32, #tpu.memory_space<vmem>>, vector<16xf32>,
    %add3A_1024 = arith.constant 96 : i32
    %add3A_1025 = vector.broadcast %add3A_1024 : i32 to vector<16xi32>
    %add3A_1026 = arith.addi %add3A_1025, %iota3A : vector<16xi32>
    %gather3A_1027 = tpu.vector_load_idx %arg9[%add3A_1026, %and3A_765] : memref<256x128xf32, #tpu.memory_space<vmem>>[vector<16xi32>, vector<16xi32>], vector<16xf32>,
    %mul3A_1028 = arith.mulf %gather3A_1027, %gather3A_731 : vector<16xf32>
    %swap3A_1029 = arith.constant 608 : index
    %swap3A_1030 = tpu.vector_load %arg10[%swap3A_1029] {strides = array<i32>} : memref<1024xf32, #tpu.memory_space<vmem>>, vector<16xf32>,
    tpu.vector_store %arg10[%swap3A_1029], %mul3A_1028 {strides = array<i32>} : memref<1024xf32, #tpu.memory_space<vmem>>, vector<16xf32>,
    %add3A_1031 = arith.constant 112 : i32
    %add3A_1032 = vector.broadcast %add3A_1031 : i32 to vector<16xi32>
    %add3A_1033 = arith.addi %add3A_1032, %iota3A : vector<16xi32>
    %gather3A_1034 = tpu.vector_load_idx %arg9[%add3A_1033, %and3A_765] : memref<256x128xf32, #tpu.memory_space<vmem>>[vector<16xi32>, vector<16xi32>], vector<16xf32>,
    %mul3A_1035 = arith.mulf %gather3A_1034, %gather3A_731 : vector<16xf32>
    %swap3A_1036 = arith.constant 624 : index
    %swap3A_1037 = tpu.vector_load %arg10[%swap3A_1036] {strides = array<i32>} : memref<1024xf32, #tpu.memory_space<vmem>>, vector<16xf32>,
    tpu.vector_store %arg10[%swap3A_1036], %mul3A_1035 {strides = array<i32>} : memref<1024xf32, #tpu.memory_space<vmem>>, vector<16xf32>,
    %add3A_1038 = arith.constant 128 : i32
    %add3A_1039 = vector.broadcast %add3A_1038 : i32 to vector<16xi32>
    %add3A_1040 = arith.addi %add3A_1039, %iota3A : vector<16xi32>
    %gather3A_1041 = tpu.vector_load_idx %arg9[%add3A_1040, %and3A_765] : memref<256x128xf32, #tpu.memory_space<vmem>>[vector<16xi32>, vector<16xi32>], vector<16xf32>,
    %mul3A_1042 = arith.mulf %gather3A_1041, %gather3A_731 : vector<16xf32>
    %swap3A_1043 = arith.constant 640 : index
    %swap3A_1044 = tpu.vector_load %arg10[%swap3A_1043] {strides = array<i32>} : memref<1024xf32, #tpu.memory_space<vmem>>, vector<16xf32>,
    tpu.vector_store %arg10[%swap3A_1043], %mul3A_1042 {strides = array<i32>} : memref<1024xf32, #tpu.memory_space<vmem>>, vector<16xf32>,
    %add3A_1045 = arith.constant 144 : i32
    %add3A_1046 = vector.broadcast %add3A_1045 : i32 to vector<16xi32>
    %add3A_1047 = arith.addi %add3A_1046, %iota3A : vector<16xi32>
    %gather3A_1048 = tpu.vector_load_idx %arg9[%add3A_1047, %and3A_765] : memref<256x128xf32, #tpu.memory_space<vmem>>[vector<16xi32>, vector<16xi32>], vector<16xf32>,
    %mul3A_1049 = arith.mulf %gather3A_1048, %gather3A_731 : vector<16xf32>
    %swap3A_1050 = arith.constant 656 : index
    %swap3A_1051 = tpu.vector_load %arg10[%swap3A_1050] {strides = array<i32>} : memref<1024xf32, #tpu.memory_space<vmem>>, vector<16xf32>,
    tpu.vector_store %arg10[%swap3A_1050], %mul3A_1049 {strides = array<i32>} : memref<1024xf32, #tpu.memory_space<vmem>>, vector<16xf32>,
    %add3A_1052 = arith.constant 160 : i32
    %add3A_1053 = vector.broadcast %add3A_1052 : i32 to vector<16xi32>
    %add3A_1054 = arith.addi %add3A_1053, %iota3A : vector<16xi32>
    %gather3A_1055 = tpu.vector_load_idx %arg9[%add3A_1054, %and3A_765] : memref<256x128xf32, #tpu.memory_space<vmem>>[vector<16xi32>, vector<16xi32>], vector<16xf32>,
    %mul3A_1056 = arith.mulf %gather3A_1055, %gather3A_731 : vector<16xf32>
    %swap3A_1057 = arith.constant 672 : index
    %swap3A_1058 = tpu.vector_load %arg10[%swap3A_1057] {strides = array<i32>} : memref<1024xf32, #tpu.memory_space<vmem>>, vector<16xf32>,
    tpu.vector_store %arg10[%swap3A_1057], %mul3A_1056 {strides = array<i32>} : memref<1024xf32, #tpu.memory_space<vmem>>, vector<16xf32>,
    %add3A_1059 = arith.constant 176 : i32
    %add3A_1060 = vector.broadcast %add3A_1059 : i32 to vector<16xi32>
    %add3A_1061 = arith.addi %add3A_1060, %iota3A : vector<16xi32>
    %gather3A_1062 = tpu.vector_load_idx %arg9[%add3A_1061, %and3A_765] : memref<256x128xf32, #tpu.memory_space<vmem>>[vector<16xi32>, vector<16xi32>], vector<16xf32>,
    %mul3A_1063 = arith.mulf %gather3A_1062, %gather3A_731 : vector<16xf32>
    %swap3A_1064 = arith.constant 688 : index
    %swap3A_1065 = tpu.vector_load %arg10[%swap3A_1064] {strides = array<i32>} : memref<1024xf32, #tpu.memory_space<vmem>>, vector<16xf32>,
    tpu.vector_store %arg10[%swap3A_1064], %mul3A_1063 {strides = array<i32>} : memref<1024xf32, #tpu.memory_space<vmem>>, vector<16xf32>,
    %add3A_1066 = arith.constant 192 : i32
    %add3A_1067 = vector.broadcast %add3A_1066 : i32 to vector<16xi32>
    %add3A_1068 = arith.addi %add3A_1067, %iota3A : vector<16xi32>
    %gather3A_1069 = tpu.vector_load_idx %arg9[%add3A_1068, %and3A_765] : memref<256x128xf32, #tpu.memory_space<vmem>>[vector<16xi32>, vector<16xi32>], vector<16xf32>,
    %mul3A_1070 = arith.mulf %gather3A_1069, %gather3A_731 : vector<16xf32>
    %swap3A_1071 = arith.constant 704 : index
    %swap3A_1072 = tpu.vector_load %arg10[%swap3A_1071] {strides = array<i32>} : memref<1024xf32, #tpu.memory_space<vmem>>, vector<16xf32>,
    tpu.vector_store %arg10[%swap3A_1071], %mul3A_1070 {strides = array<i32>} : memref<1024xf32, #tpu.memory_space<vmem>>, vector<16xf32>,
    %add3A_1073 = arith.constant 208 : i32
    %add3A_1074 = vector.broadcast %add3A_1073 : i32 to vector<16xi32>
    %add3A_1075 = arith.addi %add3A_1074, %iota3A : vector<16xi32>
    %gather3A_1076 = tpu.vector_load_idx %arg9[%add3A_1075, %and3A_765] : memref<256x128xf32, #tpu.memory_space<vmem>>[vector<16xi32>, vector<16xi32>], vector<16xf32>,
    %mul3A_1077 = arith.mulf %gather3A_1076, %gather3A_731 : vector<16xf32>
    %swap3A_1078 = arith.constant 720 : index
    %swap3A_1079 = tpu.vector_load %arg10[%swap3A_1078] {strides = array<i32>} : memref<1024xf32, #tpu.memory_space<vmem>>, vector<16xf32>,
    tpu.vector_store %arg10[%swap3A_1078], %mul3A_1077 {strides = array<i32>} : memref<1024xf32, #tpu.memory_space<vmem>>, vector<16xf32>,
    %add3A_1080 = arith.constant 224 : i32
    %add3A_1081 = vector.broadcast %add3A_1080 : i32 to vector<16xi32>
    %add3A_1082 = arith.addi %add3A_1081, %iota3A : vector<16xi32>
    %gather3A_1083 = tpu.vector_load_idx %arg9[%add3A_1082, %and3A_765] : memref<256x128xf32, #tpu.memory_space<vmem>>[vector<16xi32>, vector<16xi32>], vector<16xf32>,
    %mul3A_1084 = arith.mulf %gather3A_1083, %gather3A_731 : vector<16xf32>
    %swap3A_1085 = arith.constant 736 : index
    %swap3A_1086 = tpu.vector_load %arg10[%swap3A_1085] {strides = array<i32>} : memref<1024xf32, #tpu.memory_space<vmem>>, vector<16xf32>,
    tpu.vector_store %arg10[%swap3A_1085], %mul3A_1084 {strides = array<i32>} : memref<1024xf32, #tpu.memory_space<vmem>>, vector<16xf32>,
    %add3A_1087 = arith.constant 240 : i32
    %add3A_1088 = vector.broadcast %add3A_1087 : i32 to vector<16xi32>
    %add3A_1089 = arith.addi %add3A_1088, %iota3A : vector<16xi32>
    %gather3A_1090 = tpu.vector_load_idx %arg9[%add3A_1089, %and3A_765] : memref<256x128xf32, #tpu.memory_space<vmem>>[vector<16xi32>, vector<16xi32>], vector<16xf32>,
    %mul3A_1091 = arith.mulf %gather3A_1090, %gather3A_731 : vector<16xf32>
    %swap3A_1092 = arith.constant 752 : index
    %swap3A_1093 = tpu.vector_load %arg10[%swap3A_1092] {strides = array<i32>} : memref<1024xf32, #tpu.memory_space<vmem>>, vector<16xf32>,
    tpu.vector_store %arg10[%swap3A_1092], %mul3A_1091 {strides = array<i32>} : memref<1024xf32, #tpu.memory_space<vmem>>, vector<16xf32>,
    %mul3A_1094 = arith.constant 4 : i32
    %mul3A_1095 = arith.muli %add3A, %mul3A_1094 : i32
    %add3A_1096 = arith.constant 3 : i32
    %add3A_1097 = arith.addi %mul3A_1095, %add3A_1096 : i32
    %broadcast_in_dim3A_1098 = vector.broadcast %add3A_1097 : i32 to vector<16xi32>
    %gather3A_1099 = tpu.vector_load_idx %arg6[%broadcast_in_dim3A_1098] : memref<128xi32, #tpu.memory_space<vmem>>[vector<16xi32>], vector<16xi32>,
    %gather3A_1100 = tpu.vector_load_idx %arg7[%broadcast_in_dim3A_1098] : memref<128xf32, #tpu.memory_space<vmem>>[vector<16xi32>], vector<16xf32>,
    %jit3A_1101 = arith.constant 32 : i32
    %div3A_1102 = arith.divsi %add3A_1097, %jit3A_1101 : i32
    %sign3A_1103 = arith.constant 0 : i32
    %sign3A_1104 = arith.cmpi sgt, %add3A_1097, %sign3A_1103 : i32
    %sign3A_1105 = arith.extui %sign3A_1104 : i1 to i32
    %sign3A_1106 = arith.constant 0 : i32
    %sign3A_1107 = arith.cmpi slt, %add3A_1097, %sign3A_1106 : i32
    %sign3A_1108 = arith.extui %sign3A_1107 : i1 to i32
    %sign3A_1109 = arith.subi %sign3A_1105, %sign3A_1108 : i32
    %sign3A_1110 = arith.constant 0 : i32
    %sign3A_1111 = arith.cmpi sgt, %jit3A_1101, %sign3A_1110 : i32
    %sign3A_1112 = arith.extui %sign3A_1111 : i1 to i32
    %sign3A_1113 = arith.constant 0 : i32
    %sign3A_1114 = arith.cmpi slt, %jit3A_1101, %sign3A_1113 : i32
    %sign3A_1115 = arith.extui %sign3A_1114 : i1 to i32
    %sign3A_1116 = arith.subi %sign3A_1112, %sign3A_1115 : i32
    %ne3A_1117 = arith.cmpi ne, %sign3A_1109, %sign3A_1116 : i32
    %rem3A_1118 = arith.remsi %add3A_1097, %jit3A_1101 : i32
    %ne3A_1119 = arith.constant 0 : i32
    %ne3A_1120 = arith.cmpi ne, %rem3A_1118, %ne3A_1119 : i32
    %and3A_1121 = arith.andi %ne3A_1117, %ne3A_1120 : i1
    %sub3A_1122 = arith.constant 1 : i32
    %sub3A_1123 = arith.subi %div3A_1102, %sub3A_1122 : i32
    %select_n3A_1124 = arith.select %and3A_1121, %sub3A_1123, %div3A_1102 : i32
    %mul3A_1125 = arith.constant 115200 : i32
    %mul3A_1126 = arith.muli %select_n3A_1124, %mul3A_1125 : i32
    %shift_right_arithmetic3A_1127 = arith.constant 7 : i32
    %shift_right_arithmetic3A_1128 = vector.broadcast %shift_right_arithmetic3A_1127 : i32 to vector<16xi32>
    %shift_right_arithmetic3A_1129 = arith.shrsi %gather3A_1099, %shift_right_arithmetic3A_1128 : vector<16xi32>
    %add3A_1130 = vector.broadcast %mul3A_1126 : i32 to vector<16xi32>
    %add3A_1131 = arith.addi %add3A_1130, %shift_right_arithmetic3A_1129 : vector<16xi32>
    %and3A_1132 = arith.constant 127 : i32
    %and3A_1133 = vector.broadcast %and3A_1132 : i32 to vector<16xi32>
    %and3A_1134 = arith.andi %gather3A_1099, %and3A_1133 : vector<16xi32>
    %add3A_1135 = arith.constant 0 : i32
    %add3A_1136 = vector.broadcast %add3A_1135 : i32 to vector<16xi32>
    %add3A_1137 = arith.addi %add3A_1136, %iota3A : vector<16xi32>
    %mul3A_1138 = arith.constant 450 : i32
    %mul3A_1139 = vector.broadcast %mul3A_1138 : i32 to vector<16xi32>
    %mul3A_1140 = arith.muli %add3A_1137, %mul3A_1139 : vector<16xi32>
    %add3A_1141 = arith.addi %add3A_1131, %mul3A_1140 : vector<16xi32>
    %swap3A_1142 = arith.constant 6 : i32
    %swap3A_1143 = arith.index_cast %swap3A_1142 : i32 to index
    %swap3A_1144 = arith.constant 0 : index
    %swap3A_1145 = tpu.vector_load %arg8[%swap3A_1143, %swap3A_1144] {strides = array<i32>} : memref<8x128xi32, #tpu.memory_space<vmem>>, vector<16xi32>,
    tpu.vector_store %arg8[%swap3A_1143, %swap3A_1144], %add3A_1141 {strides = array<i32>} : memref<8x128xi32, #tpu.memory_space<vmem>>, vector<16xi32>,
    %add3A_1146 = arith.constant 16 : i32
    %add3A_1147 = vector.broadcast %add3A_1146 : i32 to vector<16xi32>
    %add3A_1148 = arith.addi %add3A_1147, %iota3A : vector<16xi32>
    %mul3A_1149 = arith.constant 450 : i32
    %mul3A_1150 = vector.broadcast %mul3A_1149 : i32 to vector<16xi32>
    %mul3A_1151 = arith.muli %add3A_1148, %mul3A_1150 : vector<16xi32>
    %add3A_1152 = arith.addi %add3A_1131, %mul3A_1151 : vector<16xi32>
    %swap3A_1153 = arith.constant 6 : i32
    %swap3A_1154 = arith.index_cast %swap3A_1153 : i32 to index
    %swap3A_1155 = arith.constant 16 : index
    %swap3A_1156 = tpu.vector_load %arg8[%swap3A_1154, %swap3A_1155] {strides = array<i32>} : memref<8x128xi32, #tpu.memory_space<vmem>>, vector<16xi32>,
    tpu.vector_store %arg8[%swap3A_1154, %swap3A_1155], %add3A_1152 {strides = array<i32>} : memref<8x128xi32, #tpu.memory_space<vmem>>, vector<16xi32>,
    %add3A_1157 = arith.constant 32 : i32
    %add3A_1158 = vector.broadcast %add3A_1157 : i32 to vector<16xi32>
    %add3A_1159 = arith.addi %add3A_1158, %iota3A : vector<16xi32>
    %mul3A_1160 = arith.constant 450 : i32
    %mul3A_1161 = vector.broadcast %mul3A_1160 : i32 to vector<16xi32>
    %mul3A_1162 = arith.muli %add3A_1159, %mul3A_1161 : vector<16xi32>
    %add3A_1163 = arith.addi %add3A_1131, %mul3A_1162 : vector<16xi32>
    %swap3A_1164 = arith.constant 6 : i32
    %swap3A_1165 = arith.index_cast %swap3A_1164 : i32 to index
    %swap3A_1166 = arith.constant 32 : index
    %swap3A_1167 = tpu.vector_load %arg8[%swap3A_1165, %swap3A_1166] {strides = array<i32>} : memref<8x128xi32, #tpu.memory_space<vmem>>, vector<16xi32>,
    tpu.vector_store %arg8[%swap3A_1165, %swap3A_1166], %add3A_1163 {strides = array<i32>} : memref<8x128xi32, #tpu.memory_space<vmem>>, vector<16xi32>,
    %add3A_1168 = arith.constant 48 : i32
    %add3A_1169 = vector.broadcast %add3A_1168 : i32 to vector<16xi32>
    %add3A_1170 = arith.addi %add3A_1169, %iota3A : vector<16xi32>
    %mul3A_1171 = arith.constant 450 : i32
    %mul3A_1172 = vector.broadcast %mul3A_1171 : i32 to vector<16xi32>
    %mul3A_1173 = arith.muli %add3A_1170, %mul3A_1172 : vector<16xi32>
    %add3A_1174 = arith.addi %add3A_1131, %mul3A_1173 : vector<16xi32>
    %swap3A_1175 = arith.constant 6 : i32
    %swap3A_1176 = arith.index_cast %swap3A_1175 : i32 to index
    %swap3A_1177 = arith.constant 48 : index
    %swap3A_1178 = tpu.vector_load %arg8[%swap3A_1176, %swap3A_1177] {strides = array<i32>} : memref<8x128xi32, #tpu.memory_space<vmem>>, vector<16xi32>,
    tpu.vector_store %arg8[%swap3A_1176, %swap3A_1177], %add3A_1174 {strides = array<i32>} : memref<8x128xi32, #tpu.memory_space<vmem>>, vector<16xi32>,
    %add3A_1179 = arith.constant 64 : i32
    %add3A_1180 = vector.broadcast %add3A_1179 : i32 to vector<16xi32>
    %add3A_1181 = arith.addi %add3A_1180, %iota3A : vector<16xi32>
    %mul3A_1182 = arith.constant 450 : i32
    %mul3A_1183 = vector.broadcast %mul3A_1182 : i32 to vector<16xi32>
    %mul3A_1184 = arith.muli %add3A_1181, %mul3A_1183 : vector<16xi32>
    %add3A_1185 = arith.addi %add3A_1131, %mul3A_1184 : vector<16xi32>
    %swap3A_1186 = arith.constant 6 : i32
    %swap3A_1187 = arith.index_cast %swap3A_1186 : i32 to index
    %swap3A_1188 = arith.constant 64 : index
    %swap3A_1189 = tpu.vector_load %arg8[%swap3A_1187, %swap3A_1188] {strides = array<i32>} : memref<8x128xi32, #tpu.memory_space<vmem>>, vector<16xi32>,
    tpu.vector_store %arg8[%swap3A_1187, %swap3A_1188], %add3A_1185 {strides = array<i32>} : memref<8x128xi32, #tpu.memory_space<vmem>>, vector<16xi32>,
    %add3A_1190 = arith.constant 80 : i32
    %add3A_1191 = vector.broadcast %add3A_1190 : i32 to vector<16xi32>
    %add3A_1192 = arith.addi %add3A_1191, %iota3A : vector<16xi32>
    %mul3A_1193 = arith.constant 450 : i32
    %mul3A_1194 = vector.broadcast %mul3A_1193 : i32 to vector<16xi32>
    %mul3A_1195 = arith.muli %add3A_1192, %mul3A_1194 : vector<16xi32>
    %add3A_1196 = arith.addi %add3A_1131, %mul3A_1195 : vector<16xi32>
    %swap3A_1197 = arith.constant 6 : i32
    %swap3A_1198 = arith.index_cast %swap3A_1197 : i32 to index
    %swap3A_1199 = arith.constant 80 : index
    %swap3A_1200 = tpu.vector_load %arg8[%swap3A_1198, %swap3A_1199] {strides = array<i32>} : memref<8x128xi32, #tpu.memory_space<vmem>>, vector<16xi32>,
    tpu.vector_store %arg8[%swap3A_1198, %swap3A_1199], %add3A_1196 {strides = array<i32>} : memref<8x128xi32, #tpu.memory_space<vmem>>, vector<16xi32>,
    %add3A_1201 = arith.constant 96 : i32
    %add3A_1202 = vector.broadcast %add3A_1201 : i32 to vector<16xi32>
    %add3A_1203 = arith.addi %add3A_1202, %iota3A : vector<16xi32>
    %mul3A_1204 = arith.constant 450 : i32
    %mul3A_1205 = vector.broadcast %mul3A_1204 : i32 to vector<16xi32>
    %mul3A_1206 = arith.muli %add3A_1203, %mul3A_1205 : vector<16xi32>
    %add3A_1207 = arith.addi %add3A_1131, %mul3A_1206 : vector<16xi32>
    %swap3A_1208 = arith.constant 6 : i32
    %swap3A_1209 = arith.index_cast %swap3A_1208 : i32 to index
    %swap3A_1210 = arith.constant 96 : index
    %swap3A_1211 = tpu.vector_load %arg8[%swap3A_1209, %swap3A_1210] {strides = array<i32>} : memref<8x128xi32, #tpu.memory_space<vmem>>, vector<16xi32>,
    tpu.vector_store %arg8[%swap3A_1209, %swap3A_1210], %add3A_1207 {strides = array<i32>} : memref<8x128xi32, #tpu.memory_space<vmem>>, vector<16xi32>,
    %add3A_1212 = arith.constant 112 : i32
    %add3A_1213 = vector.broadcast %add3A_1212 : i32 to vector<16xi32>
    %add3A_1214 = arith.addi %add3A_1213, %iota3A : vector<16xi32>
    %mul3A_1215 = arith.constant 450 : i32
    %mul3A_1216 = vector.broadcast %mul3A_1215 : i32 to vector<16xi32>
    %mul3A_1217 = arith.muli %add3A_1214, %mul3A_1216 : vector<16xi32>
    %add3A_1218 = arith.addi %add3A_1131, %mul3A_1217 : vector<16xi32>
    %swap3A_1219 = arith.constant 6 : i32
    %swap3A_1220 = arith.index_cast %swap3A_1219 : i32 to index
    %swap3A_1221 = arith.constant 112 : index
    %swap3A_1222 = tpu.vector_load %arg8[%swap3A_1220, %swap3A_1221] {strides = array<i32>} : memref<8x128xi32, #tpu.memory_space<vmem>>, vector<16xi32>,
    tpu.vector_store %arg8[%swap3A_1220, %swap3A_1221], %add3A_1218 {strides = array<i32>} : memref<8x128xi32, #tpu.memory_space<vmem>>, vector<16xi32>,
    %add3A_1223 = arith.constant 128 : i32
    %add3A_1224 = vector.broadcast %add3A_1223 : i32 to vector<16xi32>
    %add3A_1225 = arith.addi %add3A_1224, %iota3A : vector<16xi32>
    %mul3A_1226 = arith.constant 450 : i32
    %mul3A_1227 = vector.broadcast %mul3A_1226 : i32 to vector<16xi32>
    %mul3A_1228 = arith.muli %add3A_1225, %mul3A_1227 : vector<16xi32>
    %add3A_1229 = arith.addi %add3A_1131, %mul3A_1228 : vector<16xi32>
    %swap3A_1230 = arith.constant 7 : i32
    %swap3A_1231 = arith.index_cast %swap3A_1230 : i32 to index
    %swap3A_1232 = arith.constant 0 : index
    %swap3A_1233 = tpu.vector_load %arg8[%swap3A_1231, %swap3A_1232] {strides = array<i32>} : memref<8x128xi32, #tpu.memory_space<vmem>>, vector<16xi32>,
    tpu.vector_store %arg8[%swap3A_1231, %swap3A_1232], %add3A_1229 {strides = array<i32>} : memref<8x128xi32, #tpu.memory_space<vmem>>, vector<16xi32>,
    %add3A_1234 = arith.constant 144 : i32
    %add3A_1235 = vector.broadcast %add3A_1234 : i32 to vector<16xi32>
    %add3A_1236 = arith.addi %add3A_1235, %iota3A : vector<16xi32>
    %mul3A_1237 = arith.constant 450 : i32
    %mul3A_1238 = vector.broadcast %mul3A_1237 : i32 to vector<16xi32>
    %mul3A_1239 = arith.muli %add3A_1236, %mul3A_1238 : vector<16xi32>
    %add3A_1240 = arith.addi %add3A_1131, %mul3A_1239 : vector<16xi32>
    %swap3A_1241 = arith.constant 7 : i32
    %swap3A_1242 = arith.index_cast %swap3A_1241 : i32 to index
    %swap3A_1243 = arith.constant 16 : index
    %swap3A_1244 = tpu.vector_load %arg8[%swap3A_1242, %swap3A_1243] {strides = array<i32>} : memref<8x128xi32, #tpu.memory_space<vmem>>, vector<16xi32>,
    tpu.vector_store %arg8[%swap3A_1242, %swap3A_1243], %add3A_1240 {strides = array<i32>} : memref<8x128xi32, #tpu.memory_space<vmem>>, vector<16xi32>,
    %add3A_1245 = arith.constant 160 : i32
    %add3A_1246 = vector.broadcast %add3A_1245 : i32 to vector<16xi32>
    %add3A_1247 = arith.addi %add3A_1246, %iota3A : vector<16xi32>
    %mul3A_1248 = arith.constant 450 : i32
    %mul3A_1249 = vector.broadcast %mul3A_1248 : i32 to vector<16xi32>
    %mul3A_1250 = arith.muli %add3A_1247, %mul3A_1249 : vector<16xi32>
    %add3A_1251 = arith.addi %add3A_1131, %mul3A_1250 : vector<16xi32>
    %swap3A_1252 = arith.constant 7 : i32
    %swap3A_1253 = arith.index_cast %swap3A_1252 : i32 to index
    %swap3A_1254 = arith.constant 32 : index
    %swap3A_1255 = tpu.vector_load %arg8[%swap3A_1253, %swap3A_1254] {strides = array<i32>} : memref<8x128xi32, #tpu.memory_space<vmem>>, vector<16xi32>,
    tpu.vector_store %arg8[%swap3A_1253, %swap3A_1254], %add3A_1251 {strides = array<i32>} : memref<8x128xi32, #tpu.memory_space<vmem>>, vector<16xi32>,
    %add3A_1256 = arith.constant 176 : i32
    %add3A_1257 = vector.broadcast %add3A_1256 : i32 to vector<16xi32>
    %add3A_1258 = arith.addi %add3A_1257, %iota3A : vector<16xi32>
    %mul3A_1259 = arith.constant 450 : i32
    %mul3A_1260 = vector.broadcast %mul3A_1259 : i32 to vector<16xi32>
    %mul3A_1261 = arith.muli %add3A_1258, %mul3A_1260 : vector<16xi32>
    %add3A_1262 = arith.addi %add3A_1131, %mul3A_1261 : vector<16xi32>
    %swap3A_1263 = arith.constant 7 : i32
    %swap3A_1264 = arith.index_cast %swap3A_1263 : i32 to index
    %swap3A_1265 = arith.constant 48 : index
    %swap3A_1266 = tpu.vector_load %arg8[%swap3A_1264, %swap3A_1265] {strides = array<i32>} : memref<8x128xi32, #tpu.memory_space<vmem>>, vector<16xi32>,
    tpu.vector_store %arg8[%swap3A_1264, %swap3A_1265], %add3A_1262 {strides = array<i32>} : memref<8x128xi32, #tpu.memory_space<vmem>>, vector<16xi32>,
    %add3A_1267 = arith.constant 192 : i32
    %add3A_1268 = vector.broadcast %add3A_1267 : i32 to vector<16xi32>
    %add3A_1269 = arith.addi %add3A_1268, %iota3A : vector<16xi32>
    %mul3A_1270 = arith.constant 450 : i32
    %mul3A_1271 = vector.broadcast %mul3A_1270 : i32 to vector<16xi32>
    %mul3A_1272 = arith.muli %add3A_1269, %mul3A_1271 : vector<16xi32>
    %add3A_1273 = arith.addi %add3A_1131, %mul3A_1272 : vector<16xi32>
    %swap3A_1274 = arith.constant 7 : i32
    %swap3A_1275 = arith.index_cast %swap3A_1274 : i32 to index
    %swap3A_1276 = arith.constant 64 : index
    %swap3A_1277 = tpu.vector_load %arg8[%swap3A_1275, %swap3A_1276] {strides = array<i32>} : memref<8x128xi32, #tpu.memory_space<vmem>>, vector<16xi32>,
    tpu.vector_store %arg8[%swap3A_1275, %swap3A_1276], %add3A_1273 {strides = array<i32>} : memref<8x128xi32, #tpu.memory_space<vmem>>, vector<16xi32>,
    %add3A_1278 = arith.constant 208 : i32
    %add3A_1279 = vector.broadcast %add3A_1278 : i32 to vector<16xi32>
    %add3A_1280 = arith.addi %add3A_1279, %iota3A : vector<16xi32>
    %mul3A_1281 = arith.constant 450 : i32
    %mul3A_1282 = vector.broadcast %mul3A_1281 : i32 to vector<16xi32>
    %mul3A_1283 = arith.muli %add3A_1280, %mul3A_1282 : vector<16xi32>
    %add3A_1284 = arith.addi %add3A_1131, %mul3A_1283 : vector<16xi32>
    %swap3A_1285 = arith.constant 7 : i32
    %swap3A_1286 = arith.index_cast %swap3A_1285 : i32 to index
    %swap3A_1287 = arith.constant 80 : index
    %swap3A_1288 = tpu.vector_load %arg8[%swap3A_1286, %swap3A_1287] {strides = array<i32>} : memref<8x128xi32, #tpu.memory_space<vmem>>, vector<16xi32>,
    tpu.vector_store %arg8[%swap3A_1286, %swap3A_1287], %add3A_1284 {strides = array<i32>} : memref<8x128xi32, #tpu.memory_space<vmem>>, vector<16xi32>,
    %add3A_1289 = arith.constant 224 : i32
    %add3A_1290 = vector.broadcast %add3A_1289 : i32 to vector<16xi32>
    %add3A_1291 = arith.addi %add3A_1290, %iota3A : vector<16xi32>
    %mul3A_1292 = arith.constant 450 : i32
    %mul3A_1293 = vector.broadcast %mul3A_1292 : i32 to vector<16xi32>
    %mul3A_1294 = arith.muli %add3A_1291, %mul3A_1293 : vector<16xi32>
    %add3A_1295 = arith.addi %add3A_1131, %mul3A_1294 : vector<16xi32>
    %swap3A_1296 = arith.constant 7 : i32
    %swap3A_1297 = arith.index_cast %swap3A_1296 : i32 to index
    %swap3A_1298 = arith.constant 96 : index
    %swap3A_1299 = tpu.vector_load %arg8[%swap3A_1297, %swap3A_1298] {strides = array<i32>} : memref<8x128xi32, #tpu.memory_space<vmem>>, vector<16xi32>,
    tpu.vector_store %arg8[%swap3A_1297, %swap3A_1298], %add3A_1295 {strides = array<i32>} : memref<8x128xi32, #tpu.memory_space<vmem>>, vector<16xi32>,
    %add3A_1300 = arith.constant 240 : i32
    %add3A_1301 = vector.broadcast %add3A_1300 : i32 to vector<16xi32>
    %add3A_1302 = arith.addi %add3A_1301, %iota3A : vector<16xi32>
    %mul3A_1303 = arith.constant 450 : i32
    %mul3A_1304 = vector.broadcast %mul3A_1303 : i32 to vector<16xi32>
    %mul3A_1305 = arith.muli %add3A_1302, %mul3A_1304 : vector<16xi32>
    %add3A_1306 = arith.addi %add3A_1131, %mul3A_1305 : vector<16xi32>
    %swap3A_1307 = arith.constant 7 : i32
    %swap3A_1308 = arith.index_cast %swap3A_1307 : i32 to index
    %swap3A_1309 = arith.constant 112 : index
    %swap3A_1310 = tpu.vector_load %arg8[%swap3A_1308, %swap3A_1309] {strides = array<i32>} : memref<8x128xi32, #tpu.memory_space<vmem>>, vector<16xi32>,
    tpu.vector_store %arg8[%swap3A_1308, %swap3A_1309], %add3A_1306 {strides = array<i32>} : memref<8x128xi32, #tpu.memory_space<vmem>>, vector<16xi32>,
    %dma_start3A_1311 = arith.constant 6 : i32
    %dma_start3A_1312 = arith.constant 0 : i32
    %dma_start3A_1313 = arith.constant 0 : i32
    %dma_start3A_1314 = tpu.memref_slice %arg9[%dma_start3A_1312, %dma_start3A_1313] : memref<256x128xf32, #tpu.memory_space<vmem>> -> memref<128x128xf32, #tpu.memory_space<vmem>>
    %dma_start3A_1315 = arith.constant 0 : i32
    %dma_start3A_1316 = tpu.memref_slice %arg8[%dma_start3A_1311, %dma_start3A_1315] : memref<8x128xi32, #tpu.memory_space<vmem>> -> memref<1x128xi32, #tpu.memory_space<vmem>>
    %dma_start3A_1317 = tpu.memref_squeeze %dma_start3A_1316 : memref<1x128xi32, #tpu.memory_space<vmem>> -> memref<128xi32, #tpu.memory_space<vmem>>
    %dma_start3A_1318 = arith.constant 0 : i32
    %dma_start3A_1319 = arith.constant 0 : i32
    %dma_start3A_1320 = tpu.memref_slice %arg2[%dma_start3A_1318, %dma_start3A_1319] : memref<460800x128xf32, #tpu.memory_space<hbm>> -> memref<460800x128xf32, #tpu.memory_space<hbm>>
    tpu.enqueue_indirect_dma source(%dma_start3A_1320 : memref<460800x128xf32, #tpu.memory_space<hbm>>) target(%dma_start3A_1314 : memref<128x128xf32, #tpu.memory_space<vmem>>) offsets(%dma_start3A_1317 : memref<128xi32, #tpu.memory_space<vmem>>) semaphore(%arg11 : memref<!tpu.dma_semaphore, #tpu.memory_space<semaphore_mem>>)
    %dma_start3A_1321 = arith.constant 7 : i32
    %dma_start3A_1322 = arith.constant 128 : i32
    %dma_start3A_1323 = arith.constant 0 : i32
    %dma_start3A_1324 = tpu.memref_slice %arg9[%dma_start3A_1322, %dma_start3A_1323] : memref<256x128xf32, #tpu.memory_space<vmem>> -> memref<128x128xf32, #tpu.memory_space<vmem>>
    %dma_start3A_1325 = arith.constant 0 : i32
    %dma_start3A_1326 = tpu.memref_slice %arg8[%dma_start3A_1321, %dma_start3A_1325] : memref<8x128xi32, #tpu.memory_space<vmem>> -> memref<1x128xi32, #tpu.memory_space<vmem>>
    %dma_start3A_1327 = tpu.memref_squeeze %dma_start3A_1326 : memref<1x128xi32, #tpu.memory_space<vmem>> -> memref<128xi32, #tpu.memory_space<vmem>>
    %dma_start3A_1328 = arith.constant 0 : i32
    %dma_start3A_1329 = arith.constant 0 : i32
    %dma_start3A_1330 = tpu.memref_slice %arg2[%dma_start3A_1328, %dma_start3A_1329] : memref<460800x128xf32, #tpu.memory_space<hbm>> -> memref<460800x128xf32, #tpu.memory_space<hbm>>
    tpu.enqueue_indirect_dma source(%dma_start3A_1330 : memref<460800x128xf32, #tpu.memory_space<hbm>>) target(%dma_start3A_1324 : memref<128x128xf32, #tpu.memory_space<vmem>>) offsets(%dma_start3A_1327 : memref<128xi32, #tpu.memory_space<vmem>>) semaphore(%arg11 : memref<!tpu.dma_semaphore, #tpu.memory_space<semaphore_mem>>)
    %dma_wait3A_1331 = arith.constant 6 : i32
    %dma_wait3A_1332 = arith.constant 0 : i32
    %dma_wait3A_1333 = arith.constant 0 : i32
    %dma_wait3A_1334 = tpu.memref_slice %arg9[%dma_wait3A_1332, %dma_wait3A_1333] : memref<256x128xf32, #tpu.memory_space<vmem>> -> memref<128x128xf32, #tpu.memory_space<vmem>>
    %dma_wait3A_1335 = arith.constant 0 : i32
    %dma_wait3A_1336 = tpu.memref_slice %arg8[%dma_wait3A_1331, %dma_wait3A_1335] : memref<8x128xi32, #tpu.memory_space<vmem>> -> memref<1x128xi32, #tpu.memory_space<vmem>>
    %dma_wait3A_1337 = tpu.memref_squeeze %dma_wait3A_1336 : memref<1x128xi32, #tpu.memory_space<vmem>> -> memref<128xi32, #tpu.memory_space<vmem>>
    %dma_wait3A_1338 = arith.constant 0 : i32
    %dma_wait3A_1339 = arith.constant 0 : i32
    %dma_wait3A_1340 = tpu.memref_slice %arg2[%dma_wait3A_1338, %dma_wait3A_1339] : memref<460800x128xf32, #tpu.memory_space<hbm>> -> memref<460800x128xf32, #tpu.memory_space<hbm>>
    tpu.wait_indirect_dma semaphore(%arg11 : memref<!tpu.dma_semaphore, #tpu.memory_space<semaphore_mem>>) src(%dma_wait3A_1340 : memref<460800x128xf32, #tpu.memory_space<hbm>>) dst(%dma_wait3A_1334 : memref<128x128xf32, #tpu.memory_space<vmem>>)
    %dma_wait3A_1341 = arith.constant 7 : i32
    %dma_wait3A_1342 = arith.constant 128 : i32
    %dma_wait3A_1343 = arith.constant 0 : i32
    %dma_wait3A_1344 = tpu.memref_slice %arg9[%dma_wait3A_1342, %dma_wait3A_1343] : memref<256x128xf32, #tpu.memory_space<vmem>> -> memref<128x128xf32, #tpu.memory_space<vmem>>
    %dma_wait3A_1345 = arith.constant 0 : i32
    %dma_wait3A_1346 = tpu.memref_slice %arg8[%dma_wait3A_1341, %dma_wait3A_1345] : memref<8x128xi32, #tpu.memory_space<vmem>> -> memref<1x128xi32, #tpu.memory_space<vmem>>
    %dma_wait3A_1347 = tpu.memref_squeeze %dma_wait3A_1346 : memref<1x128xi32, #tpu.memory_space<vmem>> -> memref<128xi32, #tpu.memory_space<vmem>>
    %dma_wait3A_1348 = arith.constant 0 : i32
    %dma_wait3A_1349 = arith.constant 0 : i32
    %dma_wait3A_1350 = tpu.memref_slice %arg2[%dma_wait3A_1348, %dma_wait3A_1349] : memref<460800x128xf32, #tpu.memory_space<hbm>> -> memref<460800x128xf32, #tpu.memory_space<hbm>>
    tpu.wait_indirect_dma semaphore(%arg11 : memref<!tpu.dma_semaphore, #tpu.memory_space<semaphore_mem>>) src(%dma_wait3A_1350 : memref<460800x128xf32, #tpu.memory_space<hbm>>) dst(%dma_wait3A_1344 : memref<128x128xf32, #tpu.memory_space<vmem>>)
    %add3A_1351 = arith.constant 0 : i32
    %add3A_1352 = vector.broadcast %add3A_1351 : i32 to vector<16xi32>
    %add3A_1353 = arith.addi %add3A_1352, %iota3A : vector<16xi32>
    %gather3A_1354 = tpu.vector_load_idx %arg9[%add3A_1353, %and3A_1134] : memref<256x128xf32, #tpu.memory_space<vmem>>[vector<16xi32>, vector<16xi32>], vector<16xf32>,
    %mul3A_1355 = arith.mulf %gather3A_1354, %gather3A_1100 : vector<16xf32>
    %swap3A_1356 = arith.constant 768 : index
    %swap3A_1357 = tpu.vector_load %arg10[%swap3A_1356] {strides = array<i32>} : memref<1024xf32, #tpu.memory_space<vmem>>, vector<16xf32>,
    tpu.vector_store %arg10[%swap3A_1356], %mul3A_1355 {strides = array<i32>} : memref<1024xf32, #tpu.memory_space<vmem>>, vector<16xf32>,
    %add3A_1358 = arith.constant 16 : i32
    %add3A_1359 = vector.broadcast %add3A_1358 : i32 to vector<16xi32>
    %add3A_1360 = arith.addi %add3A_1359, %iota3A : vector<16xi32>
    %gather3A_1361 = tpu.vector_load_idx %arg9[%add3A_1360, %and3A_1134] : memref<256x128xf32, #tpu.memory_space<vmem>>[vector<16xi32>, vector<16xi32>], vector<16xf32>,
    %mul3A_1362 = arith.mulf %gather3A_1361, %gather3A_1100 : vector<16xf32>
    %swap3A_1363 = arith.constant 784 : index
    %swap3A_1364 = tpu.vector_load %arg10[%swap3A_1363] {strides = array<i32>} : memref<1024xf32, #tpu.memory_space<vmem>>, vector<16xf32>,
    tpu.vector_store %arg10[%swap3A_1363], %mul3A_1362 {strides = array<i32>} : memref<1024xf32, #tpu.memory_space<vmem>>, vector<16xf32>,
    %add3A_1365 = arith.constant 32 : i32
    %add3A_1366 = vector.broadcast %add3A_1365 : i32 to vector<16xi32>
    %add3A_1367 = arith.addi %add3A_1366, %iota3A : vector<16xi32>
    %gather3A_1368 = tpu.vector_load_idx %arg9[%add3A_1367, %and3A_1134] : memref<256x128xf32, #tpu.memory_space<vmem>>[vector<16xi32>, vector<16xi32>], vector<16xf32>,
    %mul3A_1369 = arith.mulf %gather3A_1368, %gather3A_1100 : vector<16xf32>
    %swap3A_1370 = arith.constant 800 : index
    %swap3A_1371 = tpu.vector_load %arg10[%swap3A_1370] {strides = array<i32>} : memref<1024xf32, #tpu.memory_space<vmem>>, vector<16xf32>,
    tpu.vector_store %arg10[%swap3A_1370], %mul3A_1369 {strides = array<i32>} : memref<1024xf32, #tpu.memory_space<vmem>>, vector<16xf32>,
    %add3A_1372 = arith.constant 48 : i32
    %add3A_1373 = vector.broadcast %add3A_1372 : i32 to vector<16xi32>
    %add3A_1374 = arith.addi %add3A_1373, %iota3A : vector<16xi32>
    %gather3A_1375 = tpu.vector_load_idx %arg9[%add3A_1374, %and3A_1134] : memref<256x128xf32, #tpu.memory_space<vmem>>[vector<16xi32>, vector<16xi32>], vector<16xf32>,
    %mul3A_1376 = arith.mulf %gather3A_1375, %gather3A_1100 : vector<16xf32>
    %swap3A_1377 = arith.constant 816 : index
    %swap3A_1378 = tpu.vector_load %arg10[%swap3A_1377] {strides = array<i32>} : memref<1024xf32, #tpu.memory_space<vmem>>, vector<16xf32>,
    tpu.vector_store %arg10[%swap3A_1377], %mul3A_1376 {strides = array<i32>} : memref<1024xf32, #tpu.memory_space<vmem>>, vector<16xf32>,
    %add3A_1379 = arith.constant 64 : i32
    %add3A_1380 = vector.broadcast %add3A_1379 : i32 to vector<16xi32>
    %add3A_1381 = arith.addi %add3A_1380, %iota3A : vector<16xi32>
    %gather3A_1382 = tpu.vector_load_idx %arg9[%add3A_1381, %and3A_1134] : memref<256x128xf32, #tpu.memory_space<vmem>>[vector<16xi32>, vector<16xi32>], vector<16xf32>,
    %mul3A_1383 = arith.mulf %gather3A_1382, %gather3A_1100 : vector<16xf32>
    %swap3A_1384 = arith.constant 832 : index
    %swap3A_1385 = tpu.vector_load %arg10[%swap3A_1384] {strides = array<i32>} : memref<1024xf32, #tpu.memory_space<vmem>>, vector<16xf32>,
    tpu.vector_store %arg10[%swap3A_1384], %mul3A_1383 {strides = array<i32>} : memref<1024xf32, #tpu.memory_space<vmem>>, vector<16xf32>,
    %add3A_1386 = arith.constant 80 : i32
    %add3A_1387 = vector.broadcast %add3A_1386 : i32 to vector<16xi32>
    %add3A_1388 = arith.addi %add3A_1387, %iota3A : vector<16xi32>
    %gather3A_1389 = tpu.vector_load_idx %arg9[%add3A_1388, %and3A_1134] : memref<256x128xf32, #tpu.memory_space<vmem>>[vector<16xi32>, vector<16xi32>], vector<16xf32>,
    %mul3A_1390 = arith.mulf %gather3A_1389, %gather3A_1100 : vector<16xf32>
    %swap3A_1391 = arith.constant 848 : index
    %swap3A_1392 = tpu.vector_load %arg10[%swap3A_1391] {strides = array<i32>} : memref<1024xf32, #tpu.memory_space<vmem>>, vector<16xf32>,
    tpu.vector_store %arg10[%swap3A_1391], %mul3A_1390 {strides = array<i32>} : memref<1024xf32, #tpu.memory_space<vmem>>, vector<16xf32>,
    %add3A_1393 = arith.constant 96 : i32
    %add3A_1394 = vector.broadcast %add3A_1393 : i32 to vector<16xi32>
    %add3A_1395 = arith.addi %add3A_1394, %iota3A : vector<16xi32>
    %gather3A_1396 = tpu.vector_load_idx %arg9[%add3A_1395, %and3A_1134] : memref<256x128xf32, #tpu.memory_space<vmem>>[vector<16xi32>, vector<16xi32>], vector<16xf32>,
    %mul3A_1397 = arith.mulf %gather3A_1396, %gather3A_1100 : vector<16xf32>
    %swap3A_1398 = arith.constant 864 : index
    %swap3A_1399 = tpu.vector_load %arg10[%swap3A_1398] {strides = array<i32>} : memref<1024xf32, #tpu.memory_space<vmem>>, vector<16xf32>,
    tpu.vector_store %arg10[%swap3A_1398], %mul3A_1397 {strides = array<i32>} : memref<1024xf32, #tpu.memory_space<vmem>>, vector<16xf32>,
    %add3A_1400 = arith.constant 112 : i32
    %add3A_1401 = vector.broadcast %add3A_1400 : i32 to vector<16xi32>
    %add3A_1402 = arith.addi %add3A_1401, %iota3A : vector<16xi32>
    %gather3A_1403 = tpu.vector_load_idx %arg9[%add3A_1402, %and3A_1134] : memref<256x128xf32, #tpu.memory_space<vmem>>[vector<16xi32>, vector<16xi32>], vector<16xf32>,
    %mul3A_1404 = arith.mulf %gather3A_1403, %gather3A_1100 : vector<16xf32>
    %swap3A_1405 = arith.constant 880 : index
    %swap3A_1406 = tpu.vector_load %arg10[%swap3A_1405] {strides = array<i32>} : memref<1024xf32, #tpu.memory_space<vmem>>, vector<16xf32>,
    tpu.vector_store %arg10[%swap3A_1405], %mul3A_1404 {strides = array<i32>} : memref<1024xf32, #tpu.memory_space<vmem>>, vector<16xf32>,
    %add3A_1407 = arith.constant 128 : i32
    %add3A_1408 = vector.broadcast %add3A_1407 : i32 to vector<16xi32>
    %add3A_1409 = arith.addi %add3A_1408, %iota3A : vector<16xi32>
    %gather3A_1410 = tpu.vector_load_idx %arg9[%add3A_1409, %and3A_1134] : memref<256x128xf32, #tpu.memory_space<vmem>>[vector<16xi32>, vector<16xi32>], vector<16xf32>,
    %mul3A_1411 = arith.mulf %gather3A_1410, %gather3A_1100 : vector<16xf32>
    %swap3A_1412 = arith.constant 896 : index
    %swap3A_1413 = tpu.vector_load %arg10[%swap3A_1412] {strides = array<i32>} : memref<1024xf32, #tpu.memory_space<vmem>>, vector<16xf32>,
    tpu.vector_store %arg10[%swap3A_1412], %mul3A_1411 {strides = array<i32>} : memref<1024xf32, #tpu.memory_space<vmem>>, vector<16xf32>,
    %add3A_1414 = arith.constant 144 : i32
    %add3A_1415 = vector.broadcast %add3A_1414 : i32 to vector<16xi32>
    %add3A_1416 = arith.addi %add3A_1415, %iota3A : vector<16xi32>
    %gather3A_1417 = tpu.vector_load_idx %arg9[%add3A_1416, %and3A_1134] : memref<256x128xf32, #tpu.memory_space<vmem>>[vector<16xi32>, vector<16xi32>], vector<16xf32>,
    %mul3A_1418 = arith.mulf %gather3A_1417, %gather3A_1100 : vector<16xf32>
    %swap3A_1419 = arith.constant 912 : index
    %swap3A_1420 = tpu.vector_load %arg10[%swap3A_1419] {strides = array<i32>} : memref<1024xf32, #tpu.memory_space<vmem>>, vector<16xf32>,
    tpu.vector_store %arg10[%swap3A_1419], %mul3A_1418 {strides = array<i32>} : memref<1024xf32, #tpu.memory_space<vmem>>, vector<16xf32>,
    %add3A_1421 = arith.constant 160 : i32
    %add3A_1422 = vector.broadcast %add3A_1421 : i32 to vector<16xi32>
    %add3A_1423 = arith.addi %add3A_1422, %iota3A : vector<16xi32>
    %gather3A_1424 = tpu.vector_load_idx %arg9[%add3A_1423, %and3A_1134] : memref<256x128xf32, #tpu.memory_space<vmem>>[vector<16xi32>, vector<16xi32>], vector<16xf32>,
    %mul3A_1425 = arith.mulf %gather3A_1424, %gather3A_1100 : vector<16xf32>
    %swap3A_1426 = arith.constant 928 : index
    %swap3A_1427 = tpu.vector_load %arg10[%swap3A_1426] {strides = array<i32>} : memref<1024xf32, #tpu.memory_space<vmem>>, vector<16xf32>,
    tpu.vector_store %arg10[%swap3A_1426], %mul3A_1425 {strides = array<i32>} : memref<1024xf32, #tpu.memory_space<vmem>>, vector<16xf32>,
    %add3A_1428 = arith.constant 176 : i32
    %add3A_1429 = vector.broadcast %add3A_1428 : i32 to vector<16xi32>
    %add3A_1430 = arith.addi %add3A_1429, %iota3A : vector<16xi32>
    %gather3A_1431 = tpu.vector_load_idx %arg9[%add3A_1430, %and3A_1134] : memref<256x128xf32, #tpu.memory_space<vmem>>[vector<16xi32>, vector<16xi32>], vector<16xf32>,
    %mul3A_1432 = arith.mulf %gather3A_1431, %gather3A_1100 : vector<16xf32>
    %swap3A_1433 = arith.constant 944 : index
    %swap3A_1434 = tpu.vector_load %arg10[%swap3A_1433] {strides = array<i32>} : memref<1024xf32, #tpu.memory_space<vmem>>, vector<16xf32>,
    tpu.vector_store %arg10[%swap3A_1433], %mul3A_1432 {strides = array<i32>} : memref<1024xf32, #tpu.memory_space<vmem>>, vector<16xf32>,
    %add3A_1435 = arith.constant 192 : i32
    %add3A_1436 = vector.broadcast %add3A_1435 : i32 to vector<16xi32>
    %add3A_1437 = arith.addi %add3A_1436, %iota3A : vector<16xi32>
    %gather3A_1438 = tpu.vector_load_idx %arg9[%add3A_1437, %and3A_1134] : memref<256x128xf32, #tpu.memory_space<vmem>>[vector<16xi32>, vector<16xi32>], vector<16xf32>,
    %mul3A_1439 = arith.mulf %gather3A_1438, %gather3A_1100 : vector<16xf32>
    %swap3A_1440 = arith.constant 960 : index
    %swap3A_1441 = tpu.vector_load %arg10[%swap3A_1440] {strides = array<i32>} : memref<1024xf32, #tpu.memory_space<vmem>>, vector<16xf32>,
    tpu.vector_store %arg10[%swap3A_1440], %mul3A_1439 {strides = array<i32>} : memref<1024xf32, #tpu.memory_space<vmem>>, vector<16xf32>,
    %add3A_1442 = arith.constant 208 : i32
    %add3A_1443 = vector.broadcast %add3A_1442 : i32 to vector<16xi32>
    %add3A_1444 = arith.addi %add3A_1443, %iota3A : vector<16xi32>
    %gather3A_1445 = tpu.vector_load_idx %arg9[%add3A_1444, %and3A_1134] : memref<256x128xf32, #tpu.memory_space<vmem>>[vector<16xi32>, vector<16xi32>], vector<16xf32>,
    %mul3A_1446 = arith.mulf %gather3A_1445, %gather3A_1100 : vector<16xf32>
    %swap3A_1447 = arith.constant 976 : index
    %swap3A_1448 = tpu.vector_load %arg10[%swap3A_1447] {strides = array<i32>} : memref<1024xf32, #tpu.memory_space<vmem>>, vector<16xf32>,
    tpu.vector_store %arg10[%swap3A_1447], %mul3A_1446 {strides = array<i32>} : memref<1024xf32, #tpu.memory_space<vmem>>, vector<16xf32>,
    %add3A_1449 = arith.constant 224 : i32
    %add3A_1450 = vector.broadcast %add3A_1449 : i32 to vector<16xi32>
    %add3A_1451 = arith.addi %add3A_1450, %iota3A : vector<16xi32>
    %gather3A_1452 = tpu.vector_load_idx %arg9[%add3A_1451, %and3A_1134] : memref<256x128xf32, #tpu.memory_space<vmem>>[vector<16xi32>, vector<16xi32>], vector<16xf32>,
    %mul3A_1453 = arith.mulf %gather3A_1452, %gather3A_1100 : vector<16xf32>
    %swap3A_1454 = arith.constant 992 : index
    %swap3A_1455 = tpu.vector_load %arg10[%swap3A_1454] {strides = array<i32>} : memref<1024xf32, #tpu.memory_space<vmem>>, vector<16xf32>,
    tpu.vector_store %arg10[%swap3A_1454], %mul3A_1453 {strides = array<i32>} : memref<1024xf32, #tpu.memory_space<vmem>>, vector<16xf32>,
    %add3A_1456 = arith.constant 240 : i32
    %add3A_1457 = vector.broadcast %add3A_1456 : i32 to vector<16xi32>
    %add3A_1458 = arith.addi %add3A_1457, %iota3A : vector<16xi32>
    %gather3A_1459 = tpu.vector_load_idx %arg9[%add3A_1458, %and3A_1134] : memref<256x128xf32, #tpu.memory_space<vmem>>[vector<16xi32>, vector<16xi32>], vector<16xf32>,
    %mul3A_1460 = arith.mulf %gather3A_1459, %gather3A_1100 : vector<16xf32>
    %swap3A_1461 = arith.constant 1008 : index
    %swap3A_1462 = tpu.vector_load %arg10[%swap3A_1461] {strides = array<i32>} : memref<1024xf32, #tpu.memory_space<vmem>>, vector<16xf32>,
    tpu.vector_store %arg10[%swap3A_1461], %mul3A_1460 {strides = array<i32>} : memref<1024xf32, #tpu.memory_space<vmem>>, vector<16xf32>,
    %mul3A_1463 = arith.constant 1024 : i32
    %mul3A_1464 = arith.muli %add3A, %mul3A_1463 : i32
    "tpu.region"() ({
      %run_scoped3A = tpu.sem_alloc : memref<!tpu.dma_semaphore, #tpu.memory_space<semaphore_mem>>
      %dma_start3A_1465 = tpu.memref_slice %arg5[%mul3A_1464] : memref<32768xf32, #tpu.memory_space<hbm>> -> memref<1024xf32, #tpu.memory_space<hbm>>
      %dma_start3A_1466 = tpu.memref_slice %arg5[%mul3A_1464] : memref<32768xf32, #tpu.memory_space<hbm>> -> memref<1024xf32, #tpu.memory_space<hbm>>
      tpu.enqueue_dma source(%arg10 : memref<1024xf32, #tpu.memory_space<vmem>>) target(%dma_start3A_1466 : memref<1024xf32, #tpu.memory_space<hbm>>) target_semaphore(%run_scoped3A : memref<!tpu.dma_semaphore, #tpu.memory_space<semaphore_mem>>)
      %dma_wait3A_1467 = tpu.memref_slice %arg5[%mul3A_1464] : memref<32768xf32, #tpu.memory_space<hbm>> -> memref<1024xf32, #tpu.memory_space<hbm>>
      %dma_wait3A_1468 = tpu.memref_slice %arg5[%mul3A_1464] : memref<32768xf32, #tpu.memory_space<hbm>> -> memref<1024xf32, #tpu.memory_space<hbm>>
      tpu.wait_dma2 semaphore(%run_scoped3A : memref<!tpu.dma_semaphore, #tpu.memory_space<semaphore_mem>>) src(%arg10 : memref<1024xf32, #tpu.memory_space<vmem>>) dst(%dma_wait3A_1468 : memref<1024xf32, #tpu.memory_space<hbm>>)
      tpu.yield
    }) : () -> ()
    return
  }
}

module attributes {stable_mosaic.version = 14 : i64} {
  func.func @_nms_topk_body(%arg0: i32, %arg1: memref<1x1x180x320xf32, #tpu.memory_space<vmem>>, %arg2: memref<1x1x32xf32, #tpu.memory_space<vmem>>, %arg3: memref<1x1x32xi32, #tpu.memory_space<vmem>>, %arg4: memref<1x4x32xf32, #tpu.memory_space<vmem>>, %arg5: memref<1x2x32xi32, #tpu.memory_space<vmem>>) attributes {dimension_semantics = [#tpu.dimension_semantics<arbitrary>], iteration_bounds = array<i64: 4>, scalar_prefetch = 0 : i64, scratch_operands = 0 : i64, tpu.core_type = #tpu.core_type<tc>, window_params = [{transform_indices = @transform_0, window_bounds = array<i64: 1, 1, 180, 320>}, {transform_indices = @transform_1, window_bounds = array<i64: 1, 1, 32>}, {transform_indices = @transform_2, window_bounds = array<i64: 1, 1, 32>}, {transform_indices = @transform_3, window_bounds = array<i64: 1, 4, 32>}, {transform_indices = @transform_4, window_bounds = array<i64: 1, 2, 32>}]} {
    %get3A = arith.constant 0 : index
    %get3A_0 = arith.constant 0 : index
    %get3A_1 = arith.constant 0 : index
    %get3A_2 = arith.constant 0 : index
    %get3A_3 = vector.load %arg1[%get3A, %get3A_0, %get3A_1, %get3A_2] : memref<1x1x180x320xf32, #tpu.memory_space<vmem>>, vector<1x1x180x320xf32>
    %get3A_4 = vector.shape_cast %get3A_3 : vector<1x1x180x320xf32> to vector<180x320xf32>
    %broadcast_in_dim3A = arith.constant 0xFF800000 : f32
    %broadcast_in_dim3A_5 = vector.broadcast %broadcast_in_dim3A : f32 to vector<4x320xf32>
    %concatenate3A = tpu.concatenate %broadcast_in_dim3A_5, %get3A_4, %broadcast_in_dim3A_5 in 0 : vector<4x320xf32>, vector<180x320xf32>, vector<4x320xf32> -> vector<188x320xf32>
    %slice3A = vector.extract_strided_slice %concatenate3A {offsets = [0, 0], sizes = [180, 320], strides = [1, 1]} : vector<188x320xf32> to vector<180x320xf32>
    %slice3A_6 = vector.extract_strided_slice %concatenate3A {offsets = [1, 0], sizes = [180, 320], strides = [1, 1]} : vector<188x320xf32> to vector<180x320xf32>
    %max3A = arith.maximumf %slice3A, %slice3A_6 : vector<180x320xf32>
    %slice3A_7 = vector.extract_strided_slice %concatenate3A {offsets = [2, 0], sizes = [180, 320], strides = [1, 1]} : vector<188x320xf32> to vector<180x320xf32>
    %max3A_8 = arith.maximumf %max3A, %slice3A_7 : vector<180x320xf32>
    %slice3A_9 = vector.extract_strided_slice %concatenate3A {offsets = [3, 0], sizes = [180, 320], strides = [1, 1]} : vector<188x320xf32> to vector<180x320xf32>
    %max3A_10 = arith.maximumf %max3A_8, %slice3A_9 : vector<180x320xf32>
    %slice3A_11 = vector.extract_strided_slice %concatenate3A {offsets = [4, 0], sizes = [180, 320], strides = [1, 1]} : vector<188x320xf32> to vector<180x320xf32>
    %max3A_12 = arith.maximumf %max3A_10, %slice3A_11 : vector<180x320xf32>
    %slice3A_13 = vector.extract_strided_slice %concatenate3A {offsets = [5, 0], sizes = [180, 320], strides = [1, 1]} : vector<188x320xf32> to vector<180x320xf32>
    %max3A_14 = arith.maximumf %max3A_12, %slice3A_13 : vector<180x320xf32>
    %slice3A_15 = vector.extract_strided_slice %concatenate3A {offsets = [6, 0], sizes = [180, 320], strides = [1, 1]} : vector<188x320xf32> to vector<180x320xf32>
    %max3A_16 = arith.maximumf %max3A_14, %slice3A_15 : vector<180x320xf32>
    %slice3A_17 = vector.extract_strided_slice %concatenate3A {offsets = [7, 0], sizes = [180, 320], strides = [1, 1]} : vector<188x320xf32> to vector<180x320xf32>
    %max3A_18 = arith.maximumf %max3A_16, %slice3A_17 : vector<180x320xf32>
    %slice3A_19 = vector.extract_strided_slice %concatenate3A {offsets = [8, 0], sizes = [180, 320], strides = [1, 1]} : vector<188x320xf32> to vector<180x320xf32>
    %max3A_20 = arith.maximumf %max3A_18, %slice3A_19 : vector<180x320xf32>
    %broadcast_in_dim3A_21 = arith.constant 0xFF800000 : f32
    %broadcast_in_dim3A_22 = vector.broadcast %broadcast_in_dim3A_21 : f32 to vector<180x4xf32>
    %concatenate3A_23 = tpu.concatenate %broadcast_in_dim3A_22, %max3A_20, %broadcast_in_dim3A_22 in 1 : vector<180x4xf32>, vector<180x320xf32>, vector<180x4xf32> -> vector<180x328xf32>
    %slice3A_24 = vector.extract_strided_slice %concatenate3A_23 {offsets = [0, 0], sizes = [180, 320], strides = [1, 1]} : vector<180x328xf32> to vector<180x320xf32>
    %slice3A_25 = vector.extract_strided_slice %concatenate3A_23 {offsets = [0, 1], sizes = [180, 320], strides = [1, 1]} : vector<180x328xf32> to vector<180x320xf32>
    %max3A_26 = arith.maximumf %slice3A_24, %slice3A_25 : vector<180x320xf32>
    %slice3A_27 = vector.extract_strided_slice %concatenate3A_23 {offsets = [0, 2], sizes = [180, 320], strides = [1, 1]} : vector<180x328xf32> to vector<180x320xf32>
    %max3A_28 = arith.maximumf %max3A_26, %slice3A_27 : vector<180x320xf32>
    %slice3A_29 = vector.extract_strided_slice %concatenate3A_23 {offsets = [0, 3], sizes = [180, 320], strides = [1, 1]} : vector<180x328xf32> to vector<180x320xf32>
    %max3A_30 = arith.maximumf %max3A_28, %slice3A_29 : vector<180x320xf32>
    %slice3A_31 = vector.extract_strided_slice %concatenate3A_23 {offsets = [0, 4], sizes = [180, 320], strides = [1, 1]} : vector<180x328xf32> to vector<180x320xf32>
    %max3A_32 = arith.maximumf %max3A_30, %slice3A_31 : vector<180x320xf32>
    %slice3A_33 = vector.extract_strided_slice %concatenate3A_23 {offsets = [0, 5], sizes = [180, 320], strides = [1, 1]} : vector<180x328xf32> to vector<180x320xf32>
    %max3A_34 = arith.maximumf %max3A_32, %slice3A_33 : vector<180x320xf32>
    %slice3A_35 = vector.extract_strided_slice %concatenate3A_23 {offsets = [0, 6], sizes = [180, 320], strides = [1, 1]} : vector<180x328xf32> to vector<180x320xf32>
    %max3A_36 = arith.maximumf %max3A_34, %slice3A_35 : vector<180x320xf32>
    %slice3A_37 = vector.extract_strided_slice %concatenate3A_23 {offsets = [0, 7], sizes = [180, 320], strides = [1, 1]} : vector<180x328xf32> to vector<180x320xf32>
    %max3A_38 = arith.maximumf %max3A_36, %slice3A_37 : vector<180x320xf32>
    %slice3A_39 = vector.extract_strided_slice %concatenate3A_23 {offsets = [0, 8], sizes = [180, 320], strides = [1, 1]} : vector<180x328xf32> to vector<180x320xf32>
    %max3A_40 = arith.maximumf %max3A_38, %slice3A_39 : vector<180x320xf32>
    %eq3A = arith.cmpf oeq, %max3A_40, %get3A_4 : vector<180x320xf32>
    %gt3A = arith.constant 1.000000e-01 : f32
    %gt3A_41 = vector.broadcast %gt3A : f32 to vector<180x320xf32>
    %gt3A_42 = arith.cmpf ogt, %get3A_4, %gt3A_41 : vector<180x320xf32>
    %and3A = arith.andi %eq3A, %gt3A_42 : vector<180x320xi1>
    %jit3A = arith.constant 0.000000e+00 : f32
    %broadcast_in_dim3A_43 = vector.broadcast %jit3A : f32 to vector<180x320xf32>
    %select_n3A = arith.select %and3A, %get3A_4, %broadcast_in_dim3A_43 : vector<180x320xi1>, vector<180x320xf32>
    %iota3A = tpu.iota {dimensions = array<i32: 0>} : vector<180x320xi32>
    %mul3A = arith.constant 320 : i32
    %mul3A_44 = vector.broadcast %mul3A : i32 to vector<180x320xi32>
    %mul3A_45 = arith.muli %iota3A, %mul3A_44 : vector<180x320xi32>
    %iota3A_46 = tpu.iota {dimensions = array<i32: 1>} : vector<180x320xi32>
    %add3A = arith.addi %mul3A_45, %iota3A_46 : vector<180x320xi32>
    %iota3A_47 = tpu.iota {dimensions = array<i32: 1>} : vector<1x32xi32>
    %broadcast_in_dim3A_48 = arith.constant 0.000000e+00 : f32
    %broadcast_in_dim3A_49 = vector.broadcast %broadcast_in_dim3A_48 : f32 to vector<1x32xf32>
    %broadcast_in_dim3A_50 = arith.constant 0 : i32
    %broadcast_in_dim3A_51 = vector.broadcast %broadcast_in_dim3A_50 : i32 to vector<1x32xi32>
    %scan3A = arith.constant 0 : i32
    %scan3A_52 = arith.constant 32 : i32
    %scan3A_53 = arith.addi %scan3A, %scan3A_52 : i32
    %scan3A_54 = arith.constant 1 : i32
    %scan3A_55:3 = scf.for %scan3A_150 = %scan3A to %scan3A_53 step %scan3A_54 iter_args(%scan3A_151 = %select_n3A, %scan3A_152 = %broadcast_in_dim3A_49, %scan3A_153 = %broadcast_in_dim3A_51) -> (vector<180x320xf32>, vector<1x32xf32>, vector<1x32xi32>)  : i32 {
      %reduce_max3A = vector.shape_cast %scan3A_151 : vector<180x320xf32> to vector<1x180x320xf32>
      %reduce_max3A_154 = arith.constant dense<0xFF800000> : vector<1xf32>
      %reduce_max3A_155 = vector.multi_reduction <maximumf>, %reduce_max3A, %reduce_max3A_154 [1, 2] : vector<1x180x320xf32> to vector<1xf32>
      %reduce_max3A_156 = vector.shape_cast %reduce_max3A_155 : vector<1xf32> to vector<1x1x1xf32>
      %reduce_max3A_157 = vector.extract %reduce_max3A_156[0, 0, 0] : f32 from vector<1x1x1xf32>
      %eq3A_158 = vector.broadcast %reduce_max3A_157 : f32 to vector<180x320xf32>
      %eq3A_159 = arith.cmpf oeq, %scan3A_151, %eq3A_158 : vector<180x320xf32>
      %jit3A_160 = arith.constant 1073741824 : i32
      %broadcast_in_dim3A_161 = vector.broadcast %jit3A_160 : i32 to vector<180x320xi32>
      %select_n3A_162 = arith.select %eq3A_159, %add3A, %broadcast_in_dim3A_161 : vector<180x320xi1>, vector<180x320xi32>
      %reduce_min3A = vector.shape_cast %select_n3A_162 : vector<180x320xi32> to vector<1x180x320xi32>
      %reduce_min3A_163 = arith.constant dense<2147483647> : vector<1xi32>
      %reduce_min3A_164 = vector.multi_reduction <minsi>, %reduce_min3A, %reduce_min3A_163 [1, 2] : vector<1x180x320xi32> to vector<1xi32>
      %reduce_min3A_165 = vector.shape_cast %reduce_min3A_164 : vector<1xi32> to vector<1x1x1xi32>
      %reduce_min3A_166 = vector.extract %reduce_min3A_165[0, 0, 0] : i32 from vector<1x1x1xi32>
      %eq3A_167 = vector.broadcast %reduce_min3A_166 : i32 to vector<180x320xi32>
      %eq3A_168 = arith.cmpi eq, %add3A, %eq3A_167 : vector<180x320xi32>
      %jit3A_169 = arith.constant -1.000000e+00 : f32
      %broadcast_in_dim3A_170 = vector.broadcast %jit3A_169 : f32 to vector<180x320xf32>
      %select_n3A_171 = arith.select %eq3A_168, %broadcast_in_dim3A_170, %scan3A_151 : vector<180x320xi1>, vector<180x320xf32>
      %eq3A_172 = vector.broadcast %scan3A_150 : i32 to vector<1x32xi32>
      %eq3A_173 = arith.cmpi eq, %iota3A_47, %eq3A_172 : vector<1x32xi32>
      %broadcast_in_dim3A_174 = vector.broadcast %reduce_max3A_157 : f32 to vector<1x32xf32>
      %select_n3A_175 = arith.select %eq3A_173, %broadcast_in_dim3A_174, %scan3A_152 : vector<1x32xi1>, vector<1x32xf32>
      %eq3A_176 = vector.broadcast %scan3A_150 : i32 to vector<1x32xi32>
      %eq3A_177 = arith.cmpi eq, %iota3A_47, %eq3A_176 : vector<1x32xi32>
      %broadcast_in_dim3A_178 = vector.broadcast %reduce_min3A_166 : i32 to vector<1x32xi32>
      %select_n3A_179 = arith.select %eq3A_177, %broadcast_in_dim3A_178, %scan3A_153 : vector<1x32xi1>, vector<1x32xi32>
      scf.yield %select_n3A_171, %select_n3A_175, %select_n3A_179 : vector<180x320xf32>, vector<1x32xf32>, vector<1x32xi32>
    }
    %scan3A_56 = arith.constant 32 : i32
    %jit3A_57 = arith.constant 320 : i32
    %eq3A_58 = arith.constant 0 : i32
    %eq3A_59 = arith.cmpi eq, %jit3A_57, %eq3A_58 : i32
    %jit3A_60 = arith.constant 1 : i32
    %select_n3A_61 = arith.select %eq3A_59, %jit3A_60, %jit3A_57 : i32
    %rem3A = vector.broadcast %select_n3A_61 : i32 to vector<1x32xi32>
    %rem3A_62 = arith.remsi %scan3A_55#2, %rem3A : vector<1x32xi32>
    %ne3A = arith.constant 0 : i32
    %ne3A_63 = vector.broadcast %ne3A : i32 to vector<1x32xi32>
    %ne3A_64 = arith.cmpi ne, %rem3A_62, %ne3A_63 : vector<1x32xi32>
    %lt3A = arith.constant 0 : i32
    %lt3A_65 = vector.broadcast %lt3A : i32 to vector<1x32xi32>
    %lt3A_66 = arith.cmpi slt, %rem3A_62, %lt3A_65 : vector<1x32xi32>
    %lt3A_67 = arith.constant 0 : i32
    %lt3A_68 = arith.cmpi slt, %select_n3A_61, %lt3A_67 : i32
    %ne3A_69 = vector.broadcast %lt3A_68 : i1 to vector<1x32xi1>
    %ne3A_70 = vector.broadcast %ne3A_69 : vector<1x32xi1> to vector<1x32xi1>
    %ne3A_71 = arith.xori %lt3A_66, %ne3A_70 : vector<1x32xi1>
    %and3A_72 = arith.andi %ne3A_71, %ne3A_64 : vector<1x32xi1>
    %add3A_73 = vector.broadcast %select_n3A_61 : i32 to vector<1x32xi32>
    %add3A_74 = arith.addi %rem3A_62, %add3A_73 : vector<1x32xi32>
    %select_n3A_75 = arith.select %and3A_72, %add3A_74, %rem3A_62 : vector<1x32xi1>, vector<1x32xi32>
    %jit3A_76 = arith.constant 320 : i32
    %div3A = vector.broadcast %jit3A_76 : i32 to vector<1x32xi32>
    %div3A_77 = arith.divsi %scan3A_55#2, %div3A : vector<1x32xi32>
    %sign3A = arith.constant 0 : i32
    %sign3A_78 = vector.broadcast %sign3A : i32 to vector<1x32xi32>
    %sign3A_79 = arith.cmpi sgt, %scan3A_55#2, %sign3A_78 : vector<1x32xi32>
    %sign3A_80 = arith.extui %sign3A_79 : vector<1x32xi1> to vector<1x32xi32>
    %sign3A_81 = arith.constant 0 : i32
    %sign3A_82 = vector.broadcast %sign3A_81 : i32 to vector<1x32xi32>
    %sign3A_83 = arith.cmpi slt, %scan3A_55#2, %sign3A_82 : vector<1x32xi32>
    %sign3A_84 = arith.extui %sign3A_83 : vector<1x32xi1> to vector<1x32xi32>
    %sign3A_85 = arith.subi %sign3A_80, %sign3A_84 : vector<1x32xi32>
    %sign3A_86 = arith.constant 0 : i32
    %sign3A_87 = arith.cmpi sgt, %jit3A_76, %sign3A_86 : i32
    %sign3A_88 = arith.extui %sign3A_87 : i1 to i32
    %sign3A_89 = arith.constant 0 : i32
    %sign3A_90 = arith.cmpi slt, %jit3A_76, %sign3A_89 : i32
    %sign3A_91 = arith.extui %sign3A_90 : i1 to i32
    %sign3A_92 = arith.subi %sign3A_88, %sign3A_91 : i32
    %ne3A_93 = vector.broadcast %sign3A_92 : i32 to vector<1x32xi32>
    %ne3A_94 = arith.cmpi ne, %sign3A_85, %ne3A_93 : vector<1x32xi32>
    %rem3A_95 = vector.broadcast %jit3A_76 : i32 to vector<1x32xi32>
    %rem3A_96 = arith.remsi %scan3A_55#2, %rem3A_95 : vector<1x32xi32>
    %ne3A_97 = arith.constant 0 : i32
    %ne3A_98 = vector.broadcast %ne3A_97 : i32 to vector<1x32xi32>
    %ne3A_99 = arith.cmpi ne, %rem3A_96, %ne3A_98 : vector<1x32xi32>
    %and3A_100 = arith.andi %ne3A_94, %ne3A_99 : vector<1x32xi1>
    %sub3A = arith.constant 1 : i32
    %sub3A_101 = vector.broadcast %sub3A : i32 to vector<1x32xi32>
    %sub3A_102 = arith.subi %div3A_77, %sub3A_101 : vector<1x32xi32>
    %select_n3A_103 = arith.select %and3A_100, %sub3A_102, %div3A_77 : vector<1x32xi1>, vector<1x32xi32>
    %swap3A = arith.constant 0 : index
    %swap3A_104 = arith.constant 0 : index
    %swap3A_105 = arith.constant 0 : index
    %swap3A_106 = vector.load %arg2[%swap3A, %swap3A_104, %swap3A_105] : memref<1x1x32xf32, #tpu.memory_space<vmem>>, vector<1x1x32xf32>
    %swap3A_107 = vector.shape_cast %swap3A_106 : vector<1x1x32xf32> to vector<1x32xf32>
    %swap3A_108 = vector.shape_cast %scan3A_55#1 : vector<1x32xf32> to vector<1x1x32xf32>
    tpu.vector_store %arg2[%swap3A, %swap3A_104, %swap3A_105], %swap3A_108 {strides = array<i32>} : memref<1x1x32xf32, #tpu.memory_space<vmem>>, vector<1x1x32xf32>,
    %swap3A_109 = arith.constant 0 : index
    %swap3A_110 = arith.constant 0 : index
    %swap3A_111 = arith.constant 0 : index
    %swap3A_112 = vector.load %arg3[%swap3A_109, %swap3A_110, %swap3A_111] : memref<1x1x32xi32, #tpu.memory_space<vmem>>, vector<1x1x32xi32>
    %swap3A_113 = vector.shape_cast %swap3A_112 : vector<1x1x32xi32> to vector<1x32xi32>
    %swap3A_114 = vector.shape_cast %scan3A_55#2 : vector<1x32xi32> to vector<1x1x32xi32>
    tpu.vector_store %arg3[%swap3A_109, %swap3A_110, %swap3A_111], %swap3A_114 {strides = array<i32>} : memref<1x1x32xi32, #tpu.memory_space<vmem>>, vector<1x1x32xi32>,
    %mul3A_115 = arith.constant 4 : i32
    %mul3A_116 = vector.broadcast %mul3A_115 : i32 to vector<1x32xi32>
    %mul3A_117 = arith.muli %select_n3A_75, %mul3A_116 : vector<1x32xi32>
    %mul3A_118 = arith.constant 4 : i32
    %mul3A_119 = vector.broadcast %mul3A_118 : i32 to vector<1x32xi32>
    %mul3A_120 = arith.muli %select_n3A_103, %mul3A_119 : vector<1x32xi32>
    %concatenate3A_121 = tpu.concatenate %mul3A_117, %mul3A_120 in 0 : vector<1x32xi32>, vector<1x32xi32> -> vector<2x32xi32>
    %swap3A_122 = arith.constant 0 : index
    %swap3A_123 = arith.constant 0 : index
    %swap3A_124 = arith.constant 0 : index
    %swap3A_125 = vector.load %arg5[%swap3A_122, %swap3A_123, %swap3A_124] : memref<1x2x32xi32, #tpu.memory_space<vmem>>, vector<1x2x32xi32>
    %swap3A_126 = vector.shape_cast %swap3A_125 : vector<1x2x32xi32> to vector<2x32xi32>
    %swap3A_127 = vector.shape_cast %concatenate3A_121 : vector<2x32xi32> to vector<1x2x32xi32>
    tpu.vector_store %arg5[%swap3A_122, %swap3A_123, %swap3A_124], %swap3A_127 {strides = array<i32>} : memref<1x2x32xi32, #tpu.memory_space<vmem>>, vector<1x2x32xi32>,
    %sub3A_128 = arith.constant 16 : i32
    %sub3A_129 = vector.broadcast %sub3A_128 : i32 to vector<1x32xi32>
    %sub3A_130 = arith.subi %select_n3A_75, %sub3A_129 : vector<1x32xi32>
    %sub3A_131 = arith.constant 16 : i32
    %sub3A_132 = vector.broadcast %sub3A_131 : i32 to vector<1x32xi32>
    %sub3A_133 = arith.subi %select_n3A_103, %sub3A_132 : vector<1x32xi32>
    %add3A_134 = arith.constant 16 : i32
    %add3A_135 = vector.broadcast %add3A_134 : i32 to vector<1x32xi32>
    %add3A_136 = arith.addi %select_n3A_75, %add3A_135 : vector<1x32xi32>
    %add3A_137 = arith.constant 16 : i32
    %add3A_138 = vector.broadcast %add3A_137 : i32 to vector<1x32xi32>
    %add3A_139 = arith.addi %select_n3A_103, %add3A_138 : vector<1x32xi32>
    %concatenate3A_140 = tpu.concatenate %sub3A_130, %sub3A_133, %add3A_136, %add3A_139 in 0 : vector<1x32xi32>, vector<1x32xi32>, vector<1x32xi32>, vector<1x32xi32> -> vector<4x32xi32>
    %convert_element_type3A = arith.sitofp %concatenate3A_140 : vector<4x32xi32> to vector<4x32xf32>
    %mul3A_141 = arith.constant 4.000000e+00 : f32
    %mul3A_142 = vector.broadcast %mul3A_141 : f32 to vector<4x32xf32>
    %mul3A_143 = arith.mulf %convert_element_type3A, %mul3A_142 : vector<4x32xf32>
    %swap3A_144 = arith.constant 0 : index
    %swap3A_145 = arith.constant 0 : index
    %swap3A_146 = arith.constant 0 : index
    %swap3A_147 = vector.load %arg4[%swap3A_144, %swap3A_145, %swap3A_146] : memref<1x4x32xf32, #tpu.memory_space<vmem>>, vector<1x4x32xf32>
    %swap3A_148 = vector.shape_cast %swap3A_147 : vector<1x4x32xf32> to vector<4x32xf32>
    %swap3A_149 = vector.shape_cast %mul3A_143 : vector<4x32xf32> to vector<1x4x32xf32>
    tpu.vector_store %arg4[%swap3A_144, %swap3A_145, %swap3A_146], %swap3A_149 {strides = array<i32>} : memref<1x4x32xf32, #tpu.memory_space<vmem>>, vector<1x4x32xf32>,
    return
  }
  func.func @transform_0(%arg0: i32) -> (i32, i32, i32, i32) {
    %c0_i32 = arith.constant 0 : i32
    %c0_i32_0 = arith.constant 0 : i32
    %c0_i32_1 = arith.constant 0 : i32
    %c0_i32_2 = arith.constant 0 : i32
    return %arg0, %c0_i32, %c0_i32_0, %c0_i32_1 : i32, i32, i32, i32
  }
  func.func @transform_1(%arg0: i32) -> (i32, i32, i32) {
    %c0_i32 = arith.constant 0 : i32
    %c0_i32_0 = arith.constant 0 : i32
    %c0_i32_1 = arith.constant 0 : i32
    return %arg0, %c0_i32, %c0_i32_0 : i32, i32, i32
  }
  func.func @transform_2(%arg0: i32) -> (i32, i32, i32) {
    %c0_i32 = arith.constant 0 : i32
    %c0_i32_0 = arith.constant 0 : i32
    %c0_i32_1 = arith.constant 0 : i32
    return %arg0, %c0_i32, %c0_i32_0 : i32, i32, i32
  }
  func.func @transform_3(%arg0: i32) -> (i32, i32, i32) {
    %c0_i32 = arith.constant 0 : i32
    %c0_i32_0 = arith.constant 0 : i32
    %c0_i32_1 = arith.constant 0 : i32
    return %arg0, %c0_i32, %c0_i32_0 : i32, i32, i32
  }
  func.func @transform_4(%arg0: i32) -> (i32, i32, i32) {
    %c0_i32 = arith.constant 0 : i32
    %c0_i32_0 = arith.constant 0 : i32
    %c0_i32_1 = arith.constant 0 : i32
    return %arg0, %c0_i32, %c0_i32_0 : i32, i32, i32
  }
}

</mosaic_0001>

<sc_bundles>
// kernel: kernel.4.cloned.1.call-start
scs
__scs_entry_jumppad:
0x0: {  	(pc) =	sbr.rel $0x88, $3  }
0x1: {  	(tag) =	ssettag $0x0;
	lr =	simm.s32 $0x1  }
0x2: {  	[smem:$0x3F9F] =	sst lr;
	_ =	strace $0xD0000000  }
0x3: {  	_ = 	snop  }
0x4: {  	_ = 	snop  }
0x5: {  	_ = 	snop  }
0x6: {  	_ = 	snop  }
0x7: {  	_ = 	snop  }
__scs_overlays_trampoline_lowered:
0x8: {  	[smem:$0x3FAE] =	sst s0  }
0x9: {  	[smem:$0x3FAF] =	sst s1  }
0xa: {  	[smem:$0x3FB0] =	sst s2  }
0xb: {  	[smem:$0x3FB1] =	sst s3  }
0xc: {  	[smem:$0x3FB2] =	sst s4  }
0xd: {  	[smem:$0x3FB3] =	sst s5  }
0xe: {  	[smem:$0x3FB4] =	sst s6  }
0xf: {  	[smem:$0x3FB5] =	sst s7  }
0x10: {  	[smem:$0x3FB6] =	sst s8  }
0x11: {  	[smem:$0x3FB7] =	sst s9;
	s0 =	simm.s32 @!p0 $0x0  }
0x12: {  	s1 =	sld [smem:$0x3F9D];
	s0 =	simm.s32 @p0 $0x1  }
0x13: {  	[smem:$0x3FB8] =	sst s0;
	s0 =	simm.s32 @!p1 $0x0  }
0x14: {  	s2 =	sld [smem:$0x3F9C];
	s0 =	simm.s32 @p1 $0x1  }
0x15: {  	[smem:$0x3FB9] =	sst s0;
	s0 =	simm.s32 @!p2 $0x0  }
0x16: {  	s3 =	sld [smem:$0x3FDB];
	s0 =	simm.s32 @p2 $0x1  }
0x17: {  	s4 =	simm.s32 $0x1BF5;
	[smem:$0x3FBB] =	sst s0  }
0x18: {  	s0 =	sld [smem:$0x3F9E];
	_ =	swait.ge [sflag:s4], $0x0  }
0x19: {  	s7 =	sld [smem:$0x3F9F]  }
0x1a: {  	s8 =	sadd.s32 $0xFFFFE003, lr  }
0x1b: {  	s9 =	sadd.s32 $0xFFFFFEF7, lr;
	s5 =	simm.s32 $0xFFFFFFFF;
	p2 =	slt.u32 s8, $0xFFFFF086  }
0x1c: {  	p1 =	slt.u32 s9, $0xF7A;
	s5 =	simm.s32 @!p2 $0x0  }
0x1d: {  	s5 =	simm.s32 @p1 $0x1;
	p0 =	seq.s32 s7, s2  }
0x1e: {  	s7 =	smul.u32 @!p0 $0xF7A, s2;
	p2 =	seq.s32 @!p0 s5, $0x0  }
0x1f: {  	s9 =	smul.u32 $0xF7A, s1;
	s8 =	simm.s32 @!p0 $0x1BF5;
	p2 =	por !p2, p0  }
0x20: {  	[sflag:s8] =	ssyncset.s32 @!p0 $0xFFFFF086;
	s6 =	sadd.s32 @!p0 s3, s7;
	s7 =	simm.s32 @!p0 $0x108  }
0x21: {  	s3 =	sadd.s32 s3, s9;
	s6 =	sadd.s32 @!p0 $0x88, s6;
	s7 =	simm.s32 @p2 $0x1082  }
0x22: {  	[simem:s7], [sflag:s8] =	dma.local @!p0 [hbm:s6], $0xF7A  }
0x23: {  	s9 =	sor.u32 $0xD0000000, s2;
	s6 =	simm.s32 $0x108;
	_ =	swait.ge @!p0 [sflag:s8], $0x0  }
0x24: {  	s3 =	sadd.s32 $0x88, s3;
	s6 =	simm.s32 @!p1 $0x1082;
	[sflag:s4] =	ssyncset.s32 $0xFFFFF086  }
0x25: {  	[simem:s6], [sflag:s4] =	dma.local [hbm:s3], $0xF7A  }
0x26: {  	[smem:$0x3F9F] =	sst s1;
	(tag) =	ssettag s2;
	_ =	strace s9  }
0x27: {  	s1 =	sld [smem:$0x3FAF]  }
0x28: {  	s2 =	sld [smem:$0x3FB0]  }
0x29: {  	s4 =	sld [smem:$0x3FB2]  }
0x2a: {  	p0 =	seq.s32 s5, $0x0;
	s5 =	sld [smem:$0x3FB3]  }
0x2b: {  	s6 =	sld [smem:$0x3FB4]  }
0x2c: {  	s7 =	sld [smem:$0x3FB5]  }
0x2d: {  	s3 =	simm.s32 $0x108;
	s8 =	sld [smem:$0x3FB6]  }
0x2e: {  	s3 =	simm.s32 @!p0 $0x1082;
	s9 =	sld [smem:$0x3FB7]  }
0x2f: {  	lr =	sadd.s32 s0, s3;
	s0 =	sld [smem:$0x3FAE]  }
0x30: {  	s3 =	sld [smem:$0x3FB1]  }
0x31: {  	[smem:$0x3FBA] =	sst s10  }
0x32: {  	s10 =	sld [smem:$0x3FB8];
	_ =	sdelay $0x3  }
0x33: {  	p0 =	seq.s32 s10, $0x1;
	s10 =	sld [smem:$0x3FBA];
	_ =	sdelay $0x3  }
0x34: {  	[smem:$0x3FBA] =	sst s10  }
0x35: {  	s10 =	sld [smem:$0x3FB9];
	_ =	sdelay $0x3  }
0x36: {  	p1 =	seq.s32 s10, $0x1;
	s10 =	sld [smem:$0x3FBA];
	_ =	sdelay $0x3  }
0x37: {  	[smem:$0x3FBA] =	sst s10  }
0x38: {  	s10 =	sld [smem:$0x3FBB]  }
0x39: {  	_ = 	snop;
	(pc) =	sbr.ind lr, $3  }
0x3a: {  	_ = 	snop  }
0x3b: {  	_ = 	snop  }
0x3c: {  	p2 =	seq.s32 s10, $0x1;
	s10 =	sld [smem:$0x3FBA]  }
0x3d: {  	_ =	shalt  }
0x3e: {  	_ =	shalt  }
0x3f: {  	_ =	shalt  }
0x40: {  	_ =	shalt  }
0x41: {  	_ =	shalt  }
0x42: {  	_ =	shalt  }
0x43: {  	_ =	shalt  }
0x44: {  	_ =	shalt  }
0x45: {  	_ =	shalt  }
0x46: {  	_ =	shalt  }
0x47: {  	_ =	shalt  }
0x48: {  	_ =	shalt  }
0x49: {  	_ =	shalt  }
0x4a: {  	_ =	shalt  }
0x4b: {  	_ =	shalt  }
0x4c: {  	_ =	shalt  }
0x4d: {  	_ =	shalt  }
0x4e: {  	_ =	shalt  }
0x4f: {  	_ =	shalt  }
0x50: {  	_ =	shalt  }
0x51: {  	_ =	shalt  }
0x52: {  	_ =	shalt  }
0x53: {  	_ =	shalt  }
0x54: {  	_ =	shalt  }
0x55: {  	_ =	shalt  }
0x56: {  	_ =	shalt  }
0x57: {  	_ =	shalt  }
0x58: {  	_ =	shalt  }
0x59: {  	_ =	shalt  }
0x5a: {  	_ =	shalt  }
0x5b: {  	_ =	shalt  }
0x5c: {  	_ =	shalt  }
0x5d: {  	_ =	shalt  }
0x5e: {  	_ =	shalt  }
0x5f: {  	_ =	shalt  }
0x60: {  	_ =	shalt  }
0x61: {  	_ =	shalt  }
0x62: {  	_ =	shalt  }
0x63: {  	_ =	shalt  }
0x64: {  	_ =	shalt  }
0x65: {  	_ =	shalt  }
0x66: {  	_ =	shalt  }
0x67: {  	_ =	shalt  }
0x68: {  	_ =	shalt  }
0x69: {  	_ =	shalt  }
0x6a: {  	_ =	shalt  }
0x6b: {  	_ =	shalt  }
0x6c: {  	_ =	shalt  }
0x6d: {  	_ =	shalt  }
0x6e: {  	_ =	shalt  }
0x6f: {  	_ =	shalt  }
0x70: {  	_ =	shalt  }
0x71: {  	_ =	shalt  }
0x72: {  	_ =	shalt  }
0x73: {  	_ =	shalt  }
0x74: {  	_ =	shalt  }
0x75: {  	_ =	shalt  }
0x76: {  	_ =	shalt  }
0x77: {  	_ =	shalt  }
0x78: {  	_ =	shalt  }
0x79: {  	_ =	shalt  }
0x7a: {  	_ =	shalt  }
0x7b: {  	_ =	shalt  }
0x7c: {  	_ =	shalt  }
0x7d: {  	_ =	shalt  }
0x7e: {  	_ =	shalt  }
0x7f: {  	_ =	shalt  }
0x80: {  	_ =	shalt  }
0x81: {  	_ =	shalt  }
0x82: {  	_ =	shalt  }
0x83: {  	_ =	shalt  }
0x84: {  	_ =	shalt  }
0x85: {  	_ =	shalt  }
0x86: {  	_ =	shalt  }
0x87: {  	_ =	shalt  }
.Lfunc_end0:
.L_simem_size_0:
called_computation_lowered:
.L_overlay_start_0:
0x88: {  	s2 =	sld [smem:$0x3FD9]  }
0x89: {  	s3 =	sld [smem:$0x3FFE];
	_ =	sdelay $0x1  }
0x8a: {  	s1 =	srdreg.scid  }
0x8b: {  	s0 =	sand.u32 $0x1, s1  }
0x8c: {  	s14 =	sshll.u32 s0, $0xA;
	s2 =	sadd.s32 s3, s2  }
0x8d: {  	s2 =	sadd.s32 s2, s14  }
0x8e: {  	[smem:$0x3FC6] =	sst s2  }
0x8f: {  	_ = 	snop  }
0x90: {  	s2 =	sld [smem:$0x3FD0];
	_ =	sdelay $0x2  }
0x91: {  	s15 =	simm.s32 $0xA;
	s4 =	simm.s32 $0x10  }
0x92: {  	[smem:s4], [sflag:s15] =	dma.local [hbm:s2], $0x1  }
0x93: {  	_ =	swait.eq [sflag:s15], $0x1  }
0x94: {  	[sflag:s15] =	ssyncset.done $0x0  }
0x95: {  	[sflag:s15] =	ssyncadd.s32 $0xFFFFFFFF  }
0x96: {  	s16 =	sld [smem:$0x10];
	(tm) =	ssettm $0x1  }
0x97: {  	s17 =	sld [smem:$0x3FFB];
	_ =	sdelay $0x3  }
0x98: {  	_ =	strace s17  }
0x99: {  	s3 =	sld [smem:$0x3FFC];
	_ =	sdelay $0x3  }
0x9a: {  	_ =	strace s3  }
0x9b: {  	s3 =	sld [smem:$0x3FFD];
	_ =	sdelay $0x3  }
0x9c: {  	_ =	strace s3  }
0x9d: {  	_ =	strace $0x8FFFFFFF  }
0x9e: {  	s18 =	sld [smem:$0x3FDB];
	_ =	sdelay $0x1  }
0x9f: {  	s19 =	simm.s32 $_scs_section_size  }
0xa0: {  	s5 =	simm.s32 $_size__tile_overlayer_lowered;
	s6 =	simm.s32 $_tile_overlayer_lowered  }
0xa1: {  	s22 =	simm.s32 $0x1BFF;
	s21 =	sshll.u32 s6, $0x1;
	s3 =	sadd.s32 s19, s18  }
0xa2: {  	s7 =	simm.s32 $0x0;
	s20 =	sshll.u32 s5, $0x1;
	s5 =	sadd.s32 s21, s3  }
0xa3: {  	[timem:s7], [sflag:s22] =	dma.local [hbm:s5], s20  }
0xa4: {  	_ =	swait.ge [sflag:s22], s20  }
0xa5: {  	s4 =	ssub.s32 $0x0, s20;
	[sflag:s22] =	ssyncset.done $0x0  }
0xa6: {  	[sflag:s22] =	ssyncadd.s32 s4;
	_ =	sdelay $0x1  }
0xa7: {  	s23 =	simm.s32 $0x1B8B  }
0xa8: {  	_ =	swait.ge [sflag:s23], $0x1  }
0xa9: {  	[sflag:s23] =	ssyncset.done $0x0  }
0xaa: {  	s25 =	simm.s32 $0x1B8E;
	s24 =	sld [smem:$0x3FFE];
	[sflag:s23] =	ssyncadd.s32 $0xFFFFFFFF  }
0xab: {  	s26 =	simm.s32 $execute0_lowered;
	[smem:$0x3FD2] =	sst s25  }
0xac: {  	s5 =	sshll.u32 s26, $0x1;
	_ =	strace $0x80000046;
	[dreg:$0x1] =	wrdreg $0xFFFFFFFF  }
0xad: {  	s28 =	simm.s32 $_size_execute0_lowered;
	s3 =	sadd.s32 s3, s5;
	[dreg:$0x0] =	wrdreg $0x0  }
0xae: {  	s5 =	sshll.u32 s28, $0x1;
	[dreg:$0x2] =	wrdreg s3  }
0xaf: {  	[dreg:$0x3] =	wrdreg s5  }
0xb0: {  	[dreg:$0x4] =	wrdreg $0xC0  }
0xb1: {  	_ =	task [dreg:s7], $0x5FFFF  }
0xb2: {  	[dreg:$0x1] =	wrdreg $0xFFFFFFFF  }
0xb3: {  	[dreg:$0x0] =	wrdreg $0x60  }
0xb4: {  	[dreg:$0x2] =	wrdreg s24  }
0xb5: {  	[dreg:$0x3] =	wrdreg s16  }
0xb6: {  	[dreg:$0x4] =	wrdreg $0x9  }
0xb7: {  	_ =	task.clear_ibuf [dreg:s7], $0x5FFFF;
	_ =	strace $0x90000046  }
0xb8: {  	s29 =	simm.s32 $0x9;
	_ =	strace $0x80000048  }
0xb9: {  	_ =	swait.ge [sflag:s29], $0x1  }
0xba: {  	[sflag:s29] =	ssyncadd.s32 $0xFFFFFFFF  }
0xbb: {  	_ =	strace $0x90000048  }
0xbc: {  	_ =	sfence  }
0xbd: {  	s30 =	sld [smem:$0x0];
	_ =	sdelay $0x2  }
0xbe: {  	s31 =	sshll.u32 s1, $0xD;
	s1 =	sshrl.u32 s1, $0x2  }
0xbf: {  	s3 =	sand.u32 $0x4000, s31;
	s1 =	sadd.s32 s1, s30  }
0xc0: {  	s0 =	sor.u32 s3, s0;
	s1 =	sshll.u32 s1, $0x11  }
0xc1: {  	s0 =	sor.u32 s1, s0  }
0xc2: {  	s0 =	sadd.s32 $0x8F2B, s0  }
0xc3: {  	[sflag:s0] =	ssyncadd.remote.s32 $0x1  }
0xc4: {  	_ =	sfence.sel $0xFFFF  }
0xc5: {  	[dreg:$0x0] =	wrdreg $0xFFFFFFFF;
	(pc) =	sbr.abs _section_cstart, $3  }
0xc6: {  	[dreg:$0x1] =	wrdreg $0xFFFFFFFF  }
0xc7: {  	_ =	task.clear_ibuf [dreg:s7], $0x2FFFF;
	_ =	strace $0x9FFFFFFF  }
0xc8: {  	(tm) =	ssettm $0x7FFFFFFF  }
0xc9: {  	_ =	shalt  }
tec
execute0_lowered:
.L_overlay_start_1:
0x0: {  	(tag) =	ssettag $0x1  }
0x1: {  	v18 =	vlaneseq.u32  }
0x2: {  	v1 =	vmul.u32 $0x1C2, v18;
	_ =	sdelay $0x1  }
0x3: {  	s1 =	srdreg.scid;
	s0 =	stileid.u32;
	s4 =	simm.s32 $0x0;
	v18 =	vmul.u32 $0x80, v18;
	v6 =	vadd.s32 $0x1C20, v1;
	v7 =	vadd.s32 $0x3840, v1  }
0x4: {  	s9 =	simm.s32 $0x80;
	s10 =	simm.s32 $0x100;
	s11 =	simm.s32 $0x500;
	v8 =	vadd.s32 $0x5460, v1;
	v9 =	vadd.s32 $0x7080, v1;
	v10 =	vadd.s32 $0x8CA0, v1  }
0x5: {  	s12 =	simm.s32 $0x180;
	s13 =	simm.s32 $0x4500;
	s14 =	simm.s32 $0x1;
	v11 =	vadd.s32 $0xA8C0, v1;
	v12 =	vadd.s32 $0xC4E0, v1;
	v13 =	vadd.s32 $0xE100, v1  }
0x6: {  	s15 =	simm.s32 $0x200;
	s16 =	simm.s32 $0x280;
	s17 =	simm.s32 $0x300;
	v14 =	vadd.s32 $0xFD20, v1;
	v15 =	vadd.s32 $0x11940, v1;
	v16 =	vadd.s32 $0x13560, v1  }
0x7: {  	s18 =	simm.s32 $0x380;
	s19 =	simm.s32 $0x400;
	s20 =	simm.s32 $0x480;
	v17 =	vadd.s32 $0x15180, v1;
	v19 =	vadd.s32 $0x16DA0, v1;
	v20 =	vadd.s32 $0x189C0, v1  }
0x8: {  	s21 =	simm.s32 $0x8500;
	s5 =	sand.u32 $0x1, s1;
	s30 =	sshll.u32 s0, $0x1;
	v21 =	vadd.s32 $0x1A5E0, v1;
	v22 =	vor.u32 $0x800, v18;
	v23 =	vor.u32 $0x1000, v18  }
0x9: {  	s2 =	sshrl.u32 s0, $0x2;
	[smem:$0x7FF] =	sst s4;
	s6 =	sor.u32 s5, s30;
	v24 =	vor.u32 $0x1800, v18;
	v25 =	vor.u32 $0x2000, v18;
	v26 =	vor.u32 $0x2800, v18  }
0xa: {  	s2 =	smul.u32 $0x1C200, s2;
	s7 =	ssub.s32 $0x2, s5;
	s1 =	sshll.u32 s6, $0x2;
	v27 =	vor.u32 $0x3000, v18;
	v28 =	vor.u32 $0x3800, v18;
	v29 =	vor.u32 $0x4000, v18  }
0xb: {  	s31 =	sshllo.u32 s6, $0x2;
	s6 =	sshll.u32 s6, $0x7;
	s8 =	sshrl.u32 s7, $0x1;
	v30 =	vor.u32 $0x4800, v18;
	v31 =	vor.u32 $0x5000, v18;
	v32 =	vor.u32 $0x5800, v18  }
0xc: {  	v33 =	vor.u32 $0x6000, v18;
	v0 =	vmov s1;
	s3 =	sor.u32 $0x1, s1;
	s1 =	sor.u32 $0x2, s1;
	v2 =	vmov s2;
	s2 =	rddreg [dreg:$0x2]  }
0xd: {  	v34 =	vor.u32 $0x6800, v18;
	v35 =	vor.u32 $0x7000, v18;
	s7 =	ssub.s32 s7, s8;
	s8 =	simm.s32 $0x2;
	v4 =	vmov s1;
	s1 =	rddreg [dreg:$0x0]  }
0xe: {  	v36 =	vor.u32 $0x7800, v18;
	v0 =	vbroadcast v0, $0x0;
	v3 =	vmov s3;
	s3 =	rddreg [dreg:$0x1];
	_ =	strace $0x80000047;
	s6 =	sadd.s32 s6, s1  }
0xf: {  	v5 =	vmov s31;
	s7 =	smax.u32 s7, $0x1;
	v3 =	vbroadcast v3, $0x0;
	v4 =	vbroadcast v4, $0x0;
	s5 =	sadd.s32 $0x8A0000, s1;
	s6 =	sadd.s32 $0x200, s6  }
.LBB2_1:
0x10: {  	[tilespmem:s4], [sflag:$0x2] =	stream.linear.gather [hbm4b:s3+s4], $0x80, $0x38;
	[tilespmem:$0x8900] =	vst v63  }
0x11: {  	_ =	swait.ge [sflag:s8], $0x80  }
0x12: {  	[sflag:s8] =	ssyncset.done $0x0  }
0x13: {  	[sflag:s8] =	ssyncadd.s32 $0xFFFFFF80  }
0x14: {  	[tilespmem:s9], [sflag:$0x2] =	stream.linear.gather [hbm4b:s1+s4], $0x80, $0x38;
	[tilespmem:$0x8900] =	vst v63  }
0x15: {  	_ =	swait.ge [sflag:s8], $0x80  }
0x16: {  	[sflag:s8] =	ssyncset.done $0x0  }
0x17: {  	[sflag:s8] =	ssyncadd.s32 $0xFFFFFF80  }
0x18: {  	v37 =	vld.idx.msk [tilespmem:v0+s4+$0x0], $0xffff;
	_ =	sdelay $0x4  }
0x19: {  	v38 =	vshra.s32 v37, $0x7  }
0x1a: {  	v38 =	vadd.s32 v2, v38  }
0x1b: {  	v40 =	vadd.s32 v1, v38  }
0x1c: {  	v39 =	vld.idx.msk [tilespmem:v0+s9+$0x0], $0xffff;
	v62 =	vadd.s32 v6, v38;
	[tilespmem:$0x100] =	vst v40  }
0x1d: {  	v63 =	vadd.s32 v7, v38;
	[tilespmem:$0x110] =	vst v62  }
0x1e: {  	v44 =	vadd.s32 v8, v38;
	[tilespmem:$0x120] =	vst v63  }
0x1f: {  	v45 =	vadd.s32 v9, v38;
	[tilespmem:$0x130] =	vst v44  }
0x20: {  	v46 =	vadd.s32 v10, v38;
	[tilespmem:$0x140] =	vst v45  }
0x21: {  	v47 =	vadd.s32 v11, v38;
	[tilespmem:$0x150] =	vst v46  }
0x22: {  	v48 =	vadd.s32 v12, v38;
	[tilespmem:$0x160] =	vst v47  }
0x23: {  	v49 =	vadd.s32 v13, v38;
	[tilespmem:$0x170] =	vst v48  }
0x24: {  	v50 =	vadd.s32 v14, v38;
	[tilespmem:$0x180] =	vst v49  }
0x25: {  	v51 =	vadd.s32 v15, v38;
	[tilespmem:$0x190] =	vst v50  }
0x26: {  	v52 =	vadd.s32 v16, v38;
	[tilespmem:$0x1A0] =	vst v51  }
0x27: {  	v53 =	vadd.s32 v17, v38;
	[tilespmem:$0x1B0] =	vst v52  }
0x28: {  	v54 =	vadd.s32 v19, v38;
	[tilespmem:$0x1C0] =	vst v53  }
0x29: {  	v55 =	vadd.s32 v20, v38;
	[tilespmem:$0x1D0] =	vst v54  }
0x2a: {  	v38 =	vadd.s32 v21, v38;
	[tilespmem:$0x1E0] =	vst v55  }
0x2b: {  	[tilespmem:$0x1F0] =	vst v38  }
0x2c: {  	[tilespmem:s11], [sflag:$0x1] =	stream.indirect.gather [hbm4b:s5+s9], $0x80, s10, s9, $0xb8;
	[tilespmem:$0x8900] =	vst v63  }
0x2d: {  	_ = 	snop  }
0x2e: {  	[tilespmem:s13], [sflag:$0x1] =	stream.indirect.gather [hbm4b:s5+s9], $0x80, s12, s9, $0xb8;
	[tilespmem:$0x8900] =	vst v63  }
0x2f: {  	v37 =	vand.u32 $0x7F, v37;
	_ =	swait.ge [sflag:s14], $0x4000  }
0x30: {  	v56 =	vor.u32 v18, v37;
	[sflag:s14] =	ssyncset.done $0x0  }
0x31: {  	[sflag:s14] =	ssyncadd.s32 $0xFFFFC000  }
0x32: {  	_ =	swait.ge [sflag:s14], $0x4000  }
0x33: {  	[sflag:s14] =	ssyncset.done $0x0  }
0x34: {  	[sflag:s14] =	ssyncadd.s32 $0xFFFFC000  }
0x35: {  	v38 =	vld.idx.msk [tilespmem:v56+s11+$0x0], $0xffff;
	_ =	sdelay $0x2  }
0x36: {  	v57 =	vor.u32 v22, v37;
	_ =	sdelay $0x1  }
0x37: {  	v38 =	vmul.f32 v38, v39;
	_ =	sdelay $0x1  }
0x38: {  	[tilespmem:$0x8500] =	vst v38  }
0x39: {  	v38 =	vld.idx.msk [tilespmem:v57+s11+$0x0], $0xffff;
	_ =	sdelay $0x2  }
0x3a: {  	v58 =	vor.u32 v23, v37;
	_ =	sdelay $0x1  }
0x3b: {  	v38 =	vmul.f32 v38, v39;
	_ =	sdelay $0x1  }
0x3c: {  	[tilespmem:$0x8510] =	vst v38  }
0x3d: {  	v38 =	vld.idx.msk [tilespmem:v58+s11+$0x0], $0xffff;
	_ =	sdelay $0x2  }
0x3e: {  	v59 =	vor.u32 v24, v37;
	_ =	sdelay $0x1  }
0x3f: {  	v38 =	vmul.f32 v38, v39;
	_ =	sdelay $0x1  }
0x40: {  	[tilespmem:$0x8520] =	vst v38  }
0x41: {  	v38 =	vld.idx.msk [tilespmem:v59+s11+$0x0], $0xffff;
	_ =	sdelay $0x2  }
0x42: {  	v60 =	vor.u32 v25, v37;
	_ =	sdelay $0x1  }
0x43: {  	v38 =	vmul.f32 v38, v39;
	_ =	sdelay $0x1  }
0x44: {  	[tilespmem:$0x8530] =	vst v38  }
0x45: {  	v38 =	vld.idx.msk [tilespmem:v60+s11+$0x0], $0xffff;
	_ =	sdelay $0x2  }
0x46: {  	v61 =	vor.u32 v26, v37;
	_ =	sdelay $0x1  }
0x47: {  	v38 =	vmul.f32 v38, v39;
	_ =	sdelay $0x1  }
0x48: {  	[tilespmem:$0x8540] =	vst v38  }
0x49: {  	v38 =	vld.idx.msk [tilespmem:v61+s11+$0x0], $0xffff;
	_ =	sdelay $0x2  }
0x4a: {  	v62 =	vor.u32 v27, v37;
	_ =	sdelay $0x1  }
0x4b: {  	v38 =	vmul.f32 v38, v39;
	_ =	sdelay $0x1  }
0x4c: {  	[tilespmem:$0x8550] =	vst v38  }
0x4d: {  	v38 =	vld.idx.msk [tilespmem:v62+s11+$0x0], $0xffff;
	_ =	sdelay $0x2  }
0x4e: {  	v63 =	vor.u32 v28, v37;
	_ =	sdelay $0x1  }
0x4f: {  	v38 =	vmul.f32 v38, v39;
	_ =	sdelay $0x1  }
0x50: {  	[tilespmem:$0x8560] =	vst v38  }
0x51: {  	v38 =	vld.idx.msk [tilespmem:v63+s11+$0x0], $0xffff;
	_ =	sdelay $0x2  }
0x52: {  	v44 =	vor.u32 v29, v37;
	_ =	sdelay $0x1  }
0x53: {  	v38 =	vmul.f32 v38, v39;
	_ =	sdelay $0x1  }
0x54: {  	[tilespmem:$0x8570] =	vst v38  }
0x55: {  	v38 =	vld.idx.msk [tilespmem:v44+s11+$0x0], $0xffff;
	_ =	sdelay $0x2  }
0x56: {  	v45 =	vor.u32 v30, v37;
	_ =	sdelay $0x1  }
0x57: {  	v38 =	vmul.f32 v38, v39;
	_ =	sdelay $0x1  }
0x58: {  	[tilespmem:$0x8580] =	vst v38  }
0x59: {  	v38 =	vld.idx.msk [tilespmem:v45+s11+$0x0], $0xffff;
	_ =	sdelay $0x2  }
0x5a: {  	v46 =	vor.u32 v31, v37;
	_ =	sdelay $0x1  }
0x5b: {  	v38 =	vmul.f32 v38, v39;
	_ =	sdelay $0x1  }
0x5c: {  	[tilespmem:$0x8590] =	vst v38  }
0x5d: {  	v38 =	vld.idx.msk [tilespmem:v46+s11+$0x0], $0xffff;
	_ =	sdelay $0x2  }
0x5e: {  	v47 =	vor.u32 v32, v37;
	_ =	sdelay $0x1  }
0x5f: {  	v38 =	vmul.f32 v38, v39;
	_ =	sdelay $0x1  }
0x60: {  	[tilespmem:$0x85A0] =	vst v38  }
0x61: {  	v38 =	vld.idx.msk [tilespmem:v47+s11+$0x0], $0xffff;
	_ =	sdelay $0x2  }
0x62: {  	v48 =	vor.u32 v33, v37;
	_ =	sdelay $0x1  }
0x63: {  	v38 =	vmul.f32 v38, v39;
	_ =	sdelay $0x1  }
0x64: {  	[tilespmem:$0x85B0] =	vst v38  }
0x65: {  	v38 =	vld.idx.msk [tilespmem:v48+s11+$0x0], $0xffff;
	_ =	sdelay $0x2  }
0x66: {  	v49 =	vor.u32 v34, v37;
	_ =	sdelay $0x1  }
0x67: {  	v38 =	vmul.f32 v38, v39;
	_ =	sdelay $0x1  }
0x68: {  	[tilespmem:$0x85C0] =	vst v38  }
0x69: {  	v38 =	vld.idx.msk [tilespmem:v49+s11+$0x0], $0xffff;
	_ =	sdelay $0x2  }
0x6a: {  	v50 =	vor.u32 v35, v37;
	_ =	sdelay $0x1  }
0x6b: {  	v38 =	vmul.f32 v38, v39;
	_ =	sdelay $0x1  }
0x6c: {  	[tilespmem:$0x85D0] =	vst v38  }
0x6d: {  	v38 =	vld.idx.msk [tilespmem:v50+s11+$0x0], $0xffff;
	_ =	sdelay $0x2  }
0x6e: {  	v37 =	vor.u32 v36, v37;
	_ =	sdelay $0x1  }
0x6f: {  	v38 =	vmul.f32 v38, v39;
	_ =	sdelay $0x1  }
0x70: {  	[tilespmem:$0x85E0] =	vst v38  }
0x71: {  	v37 =	vld.idx.msk [tilespmem:v37+s11+$0x0], $0xffff;
	_ =	sdelay $0x4  }
0x72: {  	v37 =	vmul.f32 v37, v39;
	_ =	sdelay $0x1  }
0x73: {  	[tilespmem:$0x85F0] =	vst v37  }
0x74: {  	v37 =	vld.idx.msk [tilespmem:v3+s4+$0x0], $0xffff;
	_ =	sdelay $0x4  }
0x75: {  	v51 =	vshra.s32 v37, $0x7  }
0x76: {  	v38 =	vadd.s32 v2, v51  }
0x77: {  	v52 =	vadd.s32 v1, v38  }
0x78: {  	v39 =	vld.idx.msk [tilespmem:v3+s9+$0x0], $0xffff;
	v53 =	vadd.s32 v6, v38;
	[tilespmem:$0x200] =	vst v52  }
0x79: {  	v54 =	vadd.s32 v7, v38;
	[tilespmem:$0x210] =	vst v53  }
0x7a: {  	v55 =	vadd.s32 v8, v38;
	[tilespmem:$0x220] =	vst v54  }
0x7b: {  	v56 =	vadd.s32 v9, v38;
	[tilespmem:$0x230] =	vst v55  }
0x7c: {  	v57 =	vadd.s32 v10, v38;
	[tilespmem:$0x240] =	vst v56  }
0x7d: {  	v58 =	vadd.s32 v11, v38;
	[tilespmem:$0x250] =	vst v57  }
0x7e: {  	v59 =	vadd.s32 v12, v38;
	[tilespmem:$0x260] =	vst v58  }
0x7f: {  	v60 =	vadd.s32 v13, v38;
	[tilespmem:$0x270] =	vst v59  }
0x80: {  	v61 =	vadd.s32 v14, v38;
	[tilespmem:$0x280] =	vst v60  }
0x81: {  	v62 =	vadd.s32 v15, v38;
	[tilespmem:$0x290] =	vst v61  }
0x82: {  	v63 =	vadd.s32 v16, v38;
	[tilespmem:$0x2A0] =	vst v62  }
0x83: {  	v44 =	vadd.s32 v17, v38;
	[tilespmem:$0x2B0] =	vst v63  }
0x84: {  	v45 =	vadd.s32 v19, v38;
	[tilespmem:$0x2C0] =	vst v44  }
0x85: {  	v46 =	vadd.s32 v20, v38;
	[tilespmem:$0x2D0] =	vst v45  }
0x86: {  	v38 =	vadd.s32 v21, v38;
	[tilespmem:$0x2E0] =	vst v46  }
0x87: {  	[tilespmem:$0x2F0] =	vst v38  }
0x88: {  	[tilespmem:s11], [sflag:$0x1] =	stream.indirect.gather [hbm4b:s5+s9], $0x80, s15, s9, $0xb8;
	[tilespmem:$0x8900] =	vst v63  }
0x89: {  	_ = 	snop  }
0x8a: {  	[tilespmem:s13], [sflag:$0x1] =	stream.indirect.gather [hbm4b:s5+s9], $0x80, s16, s9, $0xb8;
	[tilespmem:$0x8900] =	vst v63  }
0x8b: {  	v37 =	vand.u32 $0x7F, v37;
	_ =	swait.ge [sflag:s14], $0x4000  }
0x8c: {  	v47 =	vor.u32 v18, v37;
	[sflag:s14] =	ssyncset.done $0x0  }
0x8d: {  	[sflag:s14] =	ssyncadd.s32 $0xFFFFC000  }
0x8e: {  	_ =	swait.ge [sflag:s14], $0x4000  }
0x8f: {  	[sflag:s14] =	ssyncset.done $0x0  }
0x90: {  	[sflag:s14] =	ssyncadd.s32 $0xFFFFC000  }
0x91: {  	v38 =	vld.idx.msk [tilespmem:v47+s11+$0x0], $0xffff;
	_ =	sdelay $0x2  }
0x92: {  	v48 =	vor.u32 v22, v37;
	_ =	sdelay $0x1  }
0x93: {  	v38 =	vmul.f32 v38, v39;
	_ =	sdelay $0x1  }
0x94: {  	[tilespmem:$0x8600] =	vst v38  }
0x95: {  	v38 =	vld.idx.msk [tilespmem:v48+s11+$0x0], $0xffff;
	_ =	sdelay $0x2  }
0x96: {  	v49 =	vor.u32 v23, v37;
	_ =	sdelay $0x1  }
0x97: {  	v38 =	vmul.f32 v38, v39;
	_ =	sdelay $0x1  }
0x98: {  	[tilespmem:$0x8610] =	vst v38  }
0x99: {  	v38 =	vld.idx.msk [tilespmem:v49+s11+$0x0], $0xffff;
	_ =	sdelay $0x2  }
0x9a: {  	v50 =	vor.u32 v24, v37;
	_ =	sdelay $0x1  }
0x9b: {  	v38 =	vmul.f32 v38, v39;
	_ =	sdelay $0x1  }
0x9c: {  	[tilespmem:$0x8620] =	vst v38  }
0x9d: {  	v38 =	vld.idx.msk [tilespmem:v50+s11+$0x0], $0xffff;
	_ =	sdelay $0x2  }
0x9e: {  	v51 =	vor.u32 v25, v37;
	_ =	sdelay $0x1  }
0x9f: {  	v38 =	vmul.f32 v38, v39;
	_ =	sdelay $0x1  }
0xa0: {  	[tilespmem:$0x8630] =	vst v38  }
0xa1: {  	v38 =	vld.idx.msk [tilespmem:v51+s11+$0x0], $0xffff;
	_ =	sdelay $0x2  }
0xa2: {  	v52 =	vor.u32 v26, v37;
	_ =	sdelay $0x1  }
0xa3: {  	v38 =	vmul.f32 v38, v39;
	_ =	sdelay $0x1  }
0xa4: {  	[tilespmem:$0x8640] =	vst v38  }
0xa5: {  	v38 =	vld.idx.msk [tilespmem:v52+s11+$0x0], $0xffff;
	_ =	sdelay $0x2  }
0xa6: {  	v53 =	vor.u32 v27, v37;
	_ =	sdelay $0x1  }
0xa7: {  	v38 =	vmul.f32 v38, v39;
	_ =	sdelay $0x1  }
0xa8: {  	[tilespmem:$0x8650] =	vst v38  }
0xa9: {  	v38 =	vld.idx.msk [tilespmem:v53+s11+$0x0], $0xffff;
	_ =	sdelay $0x2  }
0xaa: {  	v54 =	vor.u32 v28, v37;
	_ =	sdelay $0x1  }
0xab: {  	v38 =	vmul.f32 v38, v39;
	_ =	sdelay $0x1  }
0xac: {  	[tilespmem:$0x8660] =	vst v38  }
0xad: {  	v38 =	vld.idx.msk [tilespmem:v54+s11+$0x0], $0xffff;
	_ =	sdelay $0x2  }
0xae: {  	v55 =	vor.u32 v29, v37;
	_ =	sdelay $0x1  }
0xaf: {  	v38 =	vmul.f32 v38, v39;
	_ =	sdelay $0x1  }
0xb0: {  	[tilespmem:$0x8670] =	vst v38  }
0xb1: {  	v38 =	vld.idx.msk [tilespmem:v55+s11+$0x0], $0xffff;
	_ =	sdelay $0x2  }
0xb2: {  	v56 =	vor.u32 v30, v37;
	_ =	sdelay $0x1  }
0xb3: {  	v38 =	vmul.f32 v38, v39;
	_ =	sdelay $0x1  }
0xb4: {  	[tilespmem:$0x8680] =	vst v38  }
0xb5: {  	v38 =	vld.idx.msk [tilespmem:v56+s11+$0x0], $0xffff;
	_ =	sdelay $0x2  }
0xb6: {  	v57 =	vor.u32 v31, v37;
	_ =	sdelay $0x1  }
0xb7: {  	v38 =	vmul.f32 v38, v39;
	_ =	sdelay $0x1  }
0xb8: {  	[tilespmem:$0x8690] =	vst v38  }
0xb9: {  	v38 =	vld.idx.msk [tilespmem:v57+s11+$0x0], $0xffff;
	_ =	sdelay $0x2  }
0xba: {  	v58 =	vor.u32 v32, v37;
	_ =	sdelay $0x1  }
0xbb: {  	v38 =	vmul.f32 v38, v39;
	_ =	sdelay $0x1  }
0xbc: {  	[tilespmem:$0x86A0] =	vst v38  }
0xbd: {  	v38 =	vld.idx.msk [tilespmem:v58+s11+$0x0], $0xffff;
	_ =	sdelay $0x2  }
0xbe: {  	v59 =	vor.u32 v33, v37;
	_ =	sdelay $0x1  }
0xbf: {  	v38 =	vmul.f32 v38, v39;
	_ =	sdelay $0x1  }
0xc0: {  	[tilespmem:$0x86B0] =	vst v38  }
0xc1: {  	v38 =	vld.idx.msk [tilespmem:v59+s11+$0x0], $0xffff;
	_ =	sdelay $0x2  }
0xc2: {  	v60 =	vor.u32 v34, v37;
	_ =	sdelay $0x1  }
0xc3: {  	v38 =	vmul.f32 v38, v39;
	_ =	sdelay $0x1  }
0xc4: {  	[tilespmem:$0x86C0] =	vst v38  }
0xc5: {  	v38 =	vld.idx.msk [tilespmem:v60+s11+$0x0], $0xffff;
	_ =	sdelay $0x2  }
0xc6: {  	v61 =	vor.u32 v35, v37;
	_ =	sdelay $0x1  }
0xc7: {  	v38 =	vmul.f32 v38, v39;
	_ =	sdelay $0x1  }
0xc8: {  	[tilespmem:$0x86D0] =	vst v38  }
0xc9: {  	v38 =	vld.idx.msk [tilespmem:v61+s11+$0x0], $0xffff;
	_ =	sdelay $0x2  }
0xca: {  	v37 =	vor.u32 v36, v37;
	_ =	sdelay $0x1  }
0xcb: {  	v38 =	vmul.f32 v38, v39;
	_ =	sdelay $0x1  }
0xcc: {  	[tilespmem:$0x86E0] =	vst v38  }
0xcd: {  	v37 =	vld.idx.msk [tilespmem:v37+s11+$0x0], $0xffff;
	_ =	sdelay $0x4  }
0xce: {  	v37 =	vmul.f32 v37, v39;
	_ =	sdelay $0x1  }
0xcf: {  	[tilespmem:$0x86F0] =	vst v37  }
0xd0: {  	v37 =	vld.idx.msk [tilespmem:v4+s4+$0x0], $0xffff;
	_ =	sdelay $0x4  }
0xd1: {  	v62 =	vshra.s32 v37, $0x7  }
0xd2: {  	v38 =	vadd.s32 v2, v62  }
0xd3: {  	v63 =	vadd.s32 v1, v38  }
0xd4: {  	v39 =	vld.idx.msk [tilespmem:v4+s9+$0x0], $0xffff;
	v44 =	vadd.s32 v6, v38;
	[tilespmem:$0x300] =	vst v63  }
0xd5: {  	v45 =	vadd.s32 v7, v38;
	[tilespmem:$0x310] =	vst v44  }
0xd6: {  	v46 =	vadd.s32 v8, v38;
	[tilespmem:$0x320] =	vst v45  }
0xd7: {  	v47 =	vadd.s32 v9, v38;
	[tilespmem:$0x330] =	vst v46  }
0xd8: {  	v48 =	vadd.s32 v10, v38;
	[tilespmem:$0x340] =	vst v47  }
0xd9: {  	v49 =	vadd.s32 v11, v38;
	[tilespmem:$0x350] =	vst v48  }
0xda: {  	v50 =	vadd.s32 v12, v38;
	[tilespmem:$0x360] =	vst v49  }
0xdb: {  	v51 =	vadd.s32 v13, v38;
	[tilespmem:$0x370] =	vst v50  }
0xdc: {  	v52 =	vadd.s32 v14, v38;
	[tilespmem:$0x380] =	vst v51  }
0xdd: {  	v53 =	vadd.s32 v15, v38;
	[tilespmem:$0x390] =	vst v52  }
0xde: {  	v54 =	vadd.s32 v16, v38;
	[tilespmem:$0x3A0] =	vst v53  }
0xdf: {  	v55 =	vadd.s32 v17, v38;
	[tilespmem:$0x3B0] =	vst v54  }
0xe0: {  	v56 =	vadd.s32 v19, v38;
	[tilespmem:$0x3C0] =	vst v55  }
0xe1: {  	v57 =	vadd.s32 v20, v38;
	[tilespmem:$0x3D0] =	vst v56  }
0xe2: {  	v38 =	vadd.s32 v21, v38;
	[tilespmem:$0x3E0] =	vst v57  }
0xe3: {  	[tilespmem:$0x3F0] =	vst v38  }
0xe4: {  	[tilespmem:s11], [sflag:$0x1] =	stream.indirect.gather [hbm4b:s5+s9], $0x80, s17, s9, $0xb8;
	[tilespmem:$0x8900] =	vst v63  }
0xe5: {  	_ = 	snop  }
0xe6: {  	[tilespmem:s13], [sflag:$0x1] =	stream.indirect.gather [hbm4b:s5+s9], $0x80, s18, s9, $0xb8;
	[tilespmem:$0x8900] =	vst v63  }
0xe7: {  	v37 =	vand.u32 $0x7F, v37;
	_ =	swait.ge [sflag:s14], $0x4000  }
0xe8: {  	v58 =	vor.u32 v18, v37;
	[sflag:s14] =	ssyncset.done $0x0  }
0xe9: {  	[sflag:s14] =	ssyncadd.s32 $0xFFFFC000  }
0xea: {  	_ =	swait.ge [sflag:s14], $0x4000  }
0xeb: {  	[sflag:s14] =	ssyncset.done $0x0  }
0xec: {  	[sflag:s14] =	ssyncadd.s32 $0xFFFFC000  }
0xed: {  	v38 =	vld.idx.msk [tilespmem:v58+s11+$0x0], $0xffff;
	_ =	sdelay $0x2  }
0xee: {  	v59 =	vor.u32 v22, v37;
	_ =	sdelay $0x1  }
0xef: {  	v38 =	vmul.f32 v38, v39;
	_ =	sdelay $0x1  }
0xf0: {  	[tilespmem:$0x8700] =	vst v38  }
0xf1: {  	v38 =	vld.idx.msk [tilespmem:v59+s11+$0x0], $0xffff;
	_ =	sdelay $0x2  }
0xf2: {  	v60 =	vor.u32 v23, v37;
	_ =	sdelay $0x1  }
0xf3: {  	v38 =	vmul.f32 v38, v39;
	_ =	sdelay $0x1  }
0xf4: {  	[tilespmem:$0x8710] =	vst v38  }
0xf5: {  	v38 =	vld.idx.msk [tilespmem:v60+s11+$0x0], $0xffff;
	_ =	sdelay $0x2  }
0xf6: {  	v61 =	vor.u32 v24, v37;
	_ =	sdelay $0x1  }
0xf7: {  	v38 =	vmul.f32 v38, v39;
	_ =	sdelay $0x1  }
0xf8: {  	[tilespmem:$0x8720] =	vst v38  }
0xf9: {  	v38 =	vld.idx.msk [tilespmem:v61+s11+$0x0], $0xffff;
	_ =	sdelay $0x2  }
0xfa: {  	v62 =	vor.u32 v25, v37;
	_ =	sdelay $0x1  }
0xfb: {  	v38 =	vmul.f32 v38, v39;
	_ =	sdelay $0x1  }
0xfc: {  	[tilespmem:$0x8730] =	vst v38  }
0xfd: {  	v38 =	vld.idx.msk [tilespmem:v62+s11+$0x0], $0xffff;
	_ =	sdelay $0x2  }
0xfe: {  	v63 =	vor.u32 v26, v37;
	_ =	sdelay $0x1  }
0xff: {  	v38 =	vmul.f32 v38, v39;
	_ =	sdelay $0x1  }
0x100: {  	[tilespmem:$0x8740] =	vst v38  }
0x101: {  	v38 =	vld.idx.msk [tilespmem:v63+s11+$0x0], $0xffff;
	_ =	sdelay $0x2  }
0x102: {  	v44 =	vor.u32 v27, v37;
	_ =	sdelay $0x1  }
0x103: {  	v38 =	vmul.f32 v38, v39;
	_ =	sdelay $0x1  }
0x104: {  	[tilespmem:$0x8750] =	vst v38  }
0x105: {  	v38 =	vld.idx.msk [tilespmem:v44+s11+$0x0], $0xffff;
	_ =	sdelay $0x2  }
0x106: {  	v45 =	vor.u32 v28, v37;
	_ =	sdelay $0x1  }
0x107: {  	v38 =	vmul.f32 v38, v39;
	_ =	sdelay $0x1  }
0x108: {  	[tilespmem:$0x8760] =	vst v38  }
0x109: {  	v38 =	vld.idx.msk [tilespmem:v45+s11+$0x0], $0xffff;
	_ =	sdelay $0x2  }
0x10a: {  	v46 =	vor.u32 v29, v37;
	_ =	sdelay $0x1  }
0x10b: {  	v38 =	vmul.f32 v38, v39;
	_ =	sdelay $0x1  }
0x10c: {  	[tilespmem:$0x8770] =	vst v38  }
0x10d: {  	v38 =	vld.idx.msk [tilespmem:v46+s11+$0x0], $0xffff;
	_ =	sdelay $0x2  }
0x10e: {  	v47 =	vor.u32 v30, v37;
	_ =	sdelay $0x1  }
0x10f: {  	v38 =	vmul.f32 v38, v39;
	_ =	sdelay $0x1  }
0x110: {  	[tilespmem:$0x8780] =	vst v38  }
0x111: {  	v38 =	vld.idx.msk [tilespmem:v47+s11+$0x0], $0xffff;
	_ =	sdelay $0x2  }
0x112: {  	v48 =	vor.u32 v31, v37;
	_ =	sdelay $0x1  }
0x113: {  	v38 =	vmul.f32 v38, v39;
	_ =	sdelay $0x1  }
0x114: {  	[tilespmem:$0x8790] =	vst v38  }
0x115: {  	v38 =	vld.idx.msk [tilespmem:v48+s11+$0x0], $0xffff;
	_ =	sdelay $0x2  }
0x116: {  	v49 =	vor.u32 v32, v37;
	_ =	sdelay $0x1  }
0x117: {  	v38 =	vmul.f32 v38, v39;
	_ =	sdelay $0x1  }
0x118: {  	[tilespmem:$0x87A0] =	vst v38  }
0x119: {  	v38 =	vld.idx.msk [tilespmem:v49+s11+$0x0], $0xffff;
	_ =	sdelay $0x2  }
0x11a: {  	v50 =	vor.u32 v33, v37;
	_ =	sdelay $0x1  }
0x11b: {  	v38 =	vmul.f32 v38, v39;
	_ =	sdelay $0x1  }
0x11c: {  	[tilespmem:$0x87B0] =	vst v38  }
0x11d: {  	v38 =	vld.idx.msk [tilespmem:v50+s11+$0x0], $0xffff;
	_ =	sdelay $0x2  }
0x11e: {  	v51 =	vor.u32 v34, v37;
	_ =	sdelay $0x1  }
0x11f: {  	v38 =	vmul.f32 v38, v39;
	_ =	sdelay $0x1  }
0x120: {  	[tilespmem:$0x87C0] =	vst v38  }
0x121: {  	v38 =	vld.idx.msk [tilespmem:v51+s11+$0x0], $0xffff;
	_ =	sdelay $0x2  }
0x122: {  	v52 =	vor.u32 v35, v37;
	_ =	sdelay $0x1  }
0x123: {  	v38 =	vmul.f32 v38, v39;
	_ =	sdelay $0x1  }
0x124: {  	[tilespmem:$0x87D0] =	vst v38  }
0x125: {  	v38 =	vld.idx.msk [tilespmem:v52+s11+$0x0], $0xffff;
	_ =	sdelay $0x2  }
0x126: {  	v37 =	vor.u32 v36, v37;
	_ =	sdelay $0x1  }
0x127: {  	v38 =	vmul.f32 v38, v39;
	_ =	sdelay $0x1  }
0x128: {  	[tilespmem:$0x87E0] =	vst v38  }
0x129: {  	v37 =	vld.idx.msk [tilespmem:v37+s11+$0x0], $0xffff;
	_ =	sdelay $0x4  }
0x12a: {  	v37 =	vmul.f32 v37, v39;
	_ =	sdelay $0x1  }
0x12b: {  	[tilespmem:$0x87F0] =	vst v37  }
0x12c: {  	v37 =	vld.idx.msk [tilespmem:v5+s4+$0x0], $0xffff;
	_ =	sdelay $0x4  }
0x12d: {  	v53 =	vshra.s32 v37, $0x7  }
0x12e: {  	v38 =	vadd.s32 v2, v53  }
0x12f: {  	v54 =	vadd.s32 v1, v38  }
0x130: {  	v39 =	vld.idx.msk [tilespmem:v5+s9+$0x0], $0xffff;
	v55 =	vadd.s32 v6, v38;
	[tilespmem:$0x400] =	vst v54  }
0x131: {  	v56 =	vadd.s32 v7, v38;
	[tilespmem:$0x410] =	vst v55  }
0x132: {  	v57 =	vadd.s32 v8, v38;
	[tilespmem:$0x420] =	vst v56  }
0x133: {  	v58 =	vadd.s32 v9, v38;
	[tilespmem:$0x430] =	vst v57  }
0x134: {  	v59 =	vadd.s32 v10, v38;
	[tilespmem:$0x440] =	vst v58  }
0x135: {  	v60 =	vadd.s32 v11, v38;
	[tilespmem:$0x450] =	vst v59  }
0x136: {  	v61 =	vadd.s32 v12, v38;
	[tilespmem:$0x460] =	vst v60  }
0x137: {  	v62 =	vadd.s32 v13, v38;
	[tilespmem:$0x470] =	vst v61  }
0x138: {  	v63 =	vadd.s32 v14, v38;
	[tilespmem:$0x480] =	vst v62  }
0x139: {  	v44 =	vadd.s32 v15, v38;
	[tilespmem:$0x490] =	vst v63  }
0x13a: {  	v45 =	vadd.s32 v16, v38;
	[tilespmem:$0x4A0] =	vst v44  }
0x13b: {  	v46 =	vadd.s32 v17, v38;
	[tilespmem:$0x4B0] =	vst v45  }
0x13c: {  	v47 =	vadd.s32 v19, v38;
	[tilespmem:$0x4C0] =	vst v46  }
0x13d: {  	v48 =	vadd.s32 v20, v38;
	[tilespmem:$0x4D0] =	vst v47  }
0x13e: {  	v38 =	vadd.s32 v21, v38;
	[tilespmem:$0x4E0] =	vst v48  }
0x13f: {  	[tilespmem:$0x4F0] =	vst v38  }
0x140: {  	[tilespmem:s11], [sflag:$0x1] =	stream.indirect.gather [hbm4b:s5+s9], $0x80, s19, s9, $0xb8;
	[tilespmem:$0x8900] =	vst v63  }
0x141: {  	_ = 	snop  }
0x142: {  	[tilespmem:s13], [sflag:$0x1] =	stream.indirect.gather [hbm4b:s5+s9], $0x80, s20, s9, $0xb8;
	[tilespmem:$0x8900] =	vst v63  }
0x143: {  	v37 =	vand.u32 $0x7F, v37;
	_ =	swait.ge [sflag:s14], $0x4000  }
0x144: {  	v49 =	vor.u32 v18, v37;
	[sflag:s14] =	ssyncset.done $0x0  }
0x145: {  	[sflag:s14] =	ssyncadd.s32 $0xFFFFC000  }
0x146: {  	_ =	swait.ge [sflag:s14], $0x4000  }
0x147: {  	[sflag:s14] =	ssyncset.done $0x0  }
0x148: {  	[sflag:s14] =	ssyncadd.s32 $0xFFFFC000  }
0x149: {  	v38 =	vld.idx.msk [tilespmem:v49+s11+$0x0], $0xffff;
	_ =	sdelay $0x2  }
0x14a: {  	v50 =	vor.u32 v22, v37;
	_ =	sdelay $0x1  }
0x14b: {  	v38 =	vmul.f32 v38, v39;
	_ =	sdelay $0x1  }
0x14c: {  	[tilespmem:$0x8800] =	vst v38  }
0x14d: {  	v38 =	vld.idx.msk [tilespmem:v50+s11+$0x0], $0xffff;
	_ =	sdelay $0x2  }
0x14e: {  	v51 =	vor.u32 v23, v37;
	_ =	sdelay $0x1  }
0x14f: {  	v38 =	vmul.f32 v38, v39;
	_ =	sdelay $0x1  }
0x150: {  	[tilespmem:$0x8810] =	vst v38  }
0x151: {  	v38 =	vld.idx.msk [tilespmem:v51+s11+$0x0], $0xffff;
	_ =	sdelay $0x2  }
0x152: {  	v52 =	vor.u32 v24, v37;
	_ =	sdelay $0x1  }
0x153: {  	v38 =	vmul.f32 v38, v39;
	_ =	sdelay $0x1  }
0x154: {  	[tilespmem:$0x8820] =	vst v38  }
0x155: {  	v38 =	vld.idx.msk [tilespmem:v52+s11+$0x0], $0xffff;
	_ =	sdelay $0x2  }
0x156: {  	v53 =	vor.u32 v25, v37;
	_ =	sdelay $0x1  }
0x157: {  	v38 =	vmul.f32 v38, v39;
	_ =	sdelay $0x1  }
0x158: {  	[tilespmem:$0x8830] =	vst v38  }
0x159: {  	v38 =	vld.idx.msk [tilespmem:v53+s11+$0x0], $0xffff;
	_ =	sdelay $0x2  }
0x15a: {  	v54 =	vor.u32 v26, v37;
	_ =	sdelay $0x1  }
0x15b: {  	v38 =	vmul.f32 v38, v39;
	_ =	sdelay $0x1  }
0x15c: {  	[tilespmem:$0x8840] =	vst v38  }
0x15d: {  	v38 =	vld.idx.msk [tilespmem:v54+s11+$0x0], $0xffff;
	_ =	sdelay $0x2  }
0x15e: {  	v55 =	vor.u32 v27, v37;
	_ =	sdelay $0x1  }
0x15f: {  	v38 =	vmul.f32 v38, v39;
	_ =	sdelay $0x1  }
0x160: {  	[tilespmem:$0x8850] =	vst v38  }
0x161: {  	v38 =	vld.idx.msk [tilespmem:v55+s11+$0x0], $0xffff;
	_ =	sdelay $0x2  }
0x162: {  	v56 =	vor.u32 v28, v37;
	_ =	sdelay $0x1  }
0x163: {  	v38 =	vmul.f32 v38, v39;
	_ =	sdelay $0x1  }
0x164: {  	[tilespmem:$0x8860] =	vst v38  }
0x165: {  	v38 =	vld.idx.msk [tilespmem:v56+s11+$0x0], $0xffff;
	_ =	sdelay $0x2  }
0x166: {  	v57 =	vor.u32 v29, v37;
	_ =	sdelay $0x1  }
0x167: {  	v38 =	vmul.f32 v38, v39;
	_ =	sdelay $0x1  }
0x168: {  	[tilespmem:$0x8870] =	vst v38  }
0x169: {  	v38 =	vld.idx.msk [tilespmem:v57+s11+$0x0], $0xffff;
	_ =	sdelay $0x2  }
0x16a: {  	v58 =	vor.u32 v30, v37;
	_ =	sdelay $0x1  }
0x16b: {  	v38 =	vmul.f32 v38, v39;
	_ =	sdelay $0x1  }
0x16c: {  	[tilespmem:$0x8880] =	vst v38  }
0x16d: {  	v38 =	vld.idx.msk [tilespmem:v58+s11+$0x0], $0xffff;
	_ =	sdelay $0x2  }
0x16e: {  	v59 =	vor.u32 v31, v37;
	_ =	sdelay $0x1  }
0x16f: {  	v38 =	vmul.f32 v38, v39;
	_ =	sdelay $0x1  }
0x170: {  	[tilespmem:$0x8890] =	vst v38  }
0x171: {  	v38 =	vld.idx.msk [tilespmem:v59+s11+$0x0], $0xffff;
	_ =	sdelay $0x2  }
0x172: {  	v60 =	vor.u32 v32, v37;
	_ =	sdelay $0x1  }
0x173: {  	v38 =	vmul.f32 v38, v39;
	_ =	sdelay $0x1  }
0x174: {  	[tilespmem:$0x88A0] =	vst v38  }
0x175: {  	v38 =	vld.idx.msk [tilespmem:v60+s11+$0x0], $0xffff;
	_ =	sdelay $0x2  }
0x176: {  	v61 =	vor.u32 v33, v37;
	_ =	sdelay $0x1  }
0x177: {  	v38 =	vmul.f32 v38, v39;
	_ =	sdelay $0x1  }
0x178: {  	[tilespmem:$0x88B0] =	vst v38  }
0x179: {  	v38 =	vld.idx.msk [tilespmem:v61+s11+$0x0], $0xffff;
	_ =	sdelay $0x2  }
0x17a: {  	v62 =	vor.u32 v34, v37;
	_ =	sdelay $0x1  }
0x17b: {  	v38 =	vmul.f32 v38, v39;
	_ =	sdelay $0x1  }
0x17c: {  	[tilespmem:$0x88C0] =	vst v38  }
0x17d: {  	v38 =	vld.idx.msk [tilespmem:v62+s11+$0x0], $0xffff;
	_ =	sdelay $0x2  }
0x17e: {  	v63 =	vor.u32 v35, v37;
	_ =	sdelay $0x1  }
0x17f: {  	v38 =	vmul.f32 v38, v39;
	_ =	sdelay $0x1  }
0x180: {  	[tilespmem:$0x88D0] =	vst v38  }
0x181: {  	v38 =	vld.idx.msk [tilespmem:v63+s11+$0x0], $0xffff;
	_ =	sdelay $0x2  }
0x182: {  	v37 =	vor.u32 v36, v37;
	_ =	sdelay $0x1  }
0x183: {  	v38 =	vmul.f32 v38, v39;
	_ =	sdelay $0x1  }
0x184: {  	[tilespmem:$0x88E0] =	vst v38  }
0x185: {  	v37 =	vld.idx.msk [tilespmem:v37+s11+$0x0], $0xffff;
	_ =	sdelay $0x4  }
0x186: {  	v37 =	vmul.f32 v37, v39  }
0x187: {  	p0 =	sne.s32 s7, $0x1  }
.Ltmp0:
0x188: {  	[tilespmem:$0x88F0] =	vst v37;
	(pc) =	sbr.rel @p0 .LBB2_1-.Ltmp0, $4  }
0x189: {  	[hbm4b:s6+s4] =	stream.linear.scatter [tilespmem:s21], [sflag:$0x2], $0x400, $0x38;
	[tilespmem:$0x8900] =	vst v63  }
0x18a: {  	_ =	swait.ge [sflag:s8], $0x400  }
0x18b: {  	[sflag:s8] =	ssyncset.done $0x0  }
0x18c: {  	s7 =	sadd.s32 $0xFFFFFFFF, s7;
	[sflag:s8] =	ssyncadd.s32 $0xFFFFFC00  }
0x18d: {  	_ =	sfence.sel $0x180000  }
0x18e: {  	[bflag:$0x0] =	sbarrier.arrive $0xFFFF  }
0x18f: {  	p0 =	sne.s32 s0, $0x0;
	_ =	strace $0x90000047  }
0x190: {  	s0 =	sadd.s32 @!p0 $0x100000, s2;
	[bflag:$0x2] =	sbarrier.arrive $0xFFFF  }
0x191: {  	[sflag:s0] =	ssyncadd.tile.s32 @!p0 $0x1;
	_ =	shalt  }
.Lfunc_end2:
_tile_overlayer_lowered:
.L_overlay_start_2:
0x192: {  	(tag) =	ssettag $0x2  }
0x193: {  	s0 =	rddreg [dreg:$0x0];
	s2 =	stileid.u32  }
0x194: {  	s1 =	rddreg [dreg:$0x1];
	p0 =	sne.s32 s2, $0x0  }
0x195: {  	s3 =	rddreg [dreg:$0x2];
	[bflag:$0x3] =	sbarrier.arrive $0xFFFF;
	s2 =	simm.s32 @!p0 $0x1C02  }
0x196: {  	[timem:s3], [sflag:s2] =	dma.local @!p0 [hbm:s0], s1  }
0x197: {  	s0 =	simm.s32 @!p0 $0x2  }
0x198: {  	_ =	swait.ge @!p0 [sflag:s0], s1  }
0x199: {  	s1 =	ssub.s32 @!p0 $0x0, s1;
	[sflag:s0] =	ssyncset.done @!p0 $0x0  }
0x19a: {  	[sflag:s0] =	ssyncadd.s32 @!p0 s1  }
0x19b: {  	[bflag:$0x3] =	sbarrier.arrive $0xFFFF  }
0x19c: {  	_ =	shalt  }

</sc_bundles>
